<compile_context>
chip_gen: v7x
topology: tpu7x:2x2x1
jax: 0.10.2.dev20260603
libtpu: 0.0.44.dev20260713+nightly
codegen_flags: <defaults>
</compile_context>

<pallas_src>
import jax
import jax.numpy as jnp
from jax import lax
from jax.experimental import pallas as pl

B, T, N, D_IN = 4, 24, 8192, 32
HID, NH, P, D_OUT = 16, 4, 6, 32
G = T // P
F = NH * HID
AC = NH * P * G * G
Q = 4
NQ = N // Q
NBQ = 256
FQ = Q * F
EQ = Q * NH
DQ = Q * D_IN


def _tb_kernel(x_ref, w2dT_ref, wsrcT_ref, wdstT_ref, woutT_ref, bout_ref,
               rep_ref, out_ref, attn_ref):
    x = x_ref[0]
    x2 = x.reshape(T * NBQ, DQ)

    def matT(w, v):
        return lax.dot_general(w, v, (((1,), (1,)), ((), ())),
                               preferred_element_type=jnp.float32)

    hT = matT(w2dT_ref[...], x2)
    esT = matT(wsrcT_ref[...], x2)
    edT = matT(wdstT_ref[...], x2)
    rep = rep_ref[...]

    a_chunks = []
    o_chunks = []
    for p in range(P):
        base = p * G * NBQ
        src = [esT[:, base + i * NBQ: base + (i + 1) * NBQ] for i in range(G)]
        dst = [edT[:, base + j * NBQ: base + (j + 1) * NBQ] for j in range(G)]
        for i in range(G):
            e_row = []
            for j in range(G):
                e = src[i] + dst[j]
                e_row.append(jnp.where(e >= 0.0, e, 0.2 * e))
            m = jnp.maximum(jnp.maximum(e_row[0], e_row[1]),
                            jnp.maximum(e_row[2], e_row[3]))
            ex = [jnp.exp(e - m) for e in e_row]
            inv = 1.0 / (ex[0] + ex[1] + ex[2] + ex[3])
            a_chunks.append(jnp.concatenate([exj * inv for exj in ex], axis=1))
        a_p = jnp.concatenate(a_chunks[-G:], axis=1)
        arep = jnp.dot(rep, a_p, preferred_element_type=jnp.float32)
        hslab = hT[:, base:base + G * NBQ]
        for i in range(G):
            c = arep[:, i * G * NBQ:(i + 1) * G * NBQ] * hslab
            o_chunks.append(c[:, 0:NBQ] + c[:, NBQ:2 * NBQ]
                            + c[:, 2 * NBQ:3 * NBQ] + c[:, 3 * NBQ:4 * NBQ])

    oT = jnp.concatenate(o_chunks, axis=1)
    zT = jnp.dot(woutT_ref[...], oT, preferred_element_type=jnp.float32)
    zT = zT + bout_ref[...]
    zT = jnp.where(zT > 0.0, zT, jnp.exp(zT) - 1.0)
    out_ref[0] = (x2 + zT.T).reshape(T, NBQ, DQ)

    a_cat = jnp.concatenate(a_chunks, axis=1)
    attn_ref[...] = a_cat.reshape(EQ * P * G * G, NBQ).T


def kernel(input, covariate, W, a_src, a_dst, W_out, b_out):
    del covariate
    eyeq = jnp.eye(Q, dtype=jnp.float32)
    w2dT = jnp.transpose(W, (0, 2, 1)).reshape(F, D_IN)
    w2dT4 = jnp.kron(eyeq, w2dT)
    wsrcT4 = jnp.kron(eyeq, jnp.einsum('ndh,nh->nd', W, a_src))
    wdstT4 = jnp.kron(eyeq, jnp.einsum('ndh,nh->nd', W, a_dst))
    woutT4 = jnp.kron(eyeq, W_out.T)
    bout4 = jnp.tile(b_out, Q).reshape(DQ, 1)
    rep = jnp.kron(eyeq, (jnp.arange(F)[:, None] // HID
                          == jnp.arange(NH)[None, :]).astype(jnp.float32))

    x4 = input.reshape(B, T, NQ, DQ)
    nblk = NQ // NBQ
    out, attn2 = pl.pallas_call(
        _tb_kernel,
        grid=(B, nblk),
        in_specs=[
            pl.BlockSpec((1, T, NBQ, DQ), lambda b, k: (b, 0, k, 0)),
            pl.BlockSpec((FQ, DQ), lambda b, k: (0, 0)),
            pl.BlockSpec((EQ, DQ), lambda b, k: (0, 0)),
            pl.BlockSpec((EQ, DQ), lambda b, k: (0, 0)),
            pl.BlockSpec((DQ, FQ), lambda b, k: (0, 0)),
            pl.BlockSpec((DQ, 1), lambda b, k: (0, 0)),
            pl.BlockSpec((FQ, EQ), lambda b, k: (0, 0)),
        ],
        out_specs=[
            pl.BlockSpec((1, T, NBQ, DQ), lambda b, k: (b, 0, k, 0)),
            pl.BlockSpec((NBQ, Q * AC), lambda b, k: (b * nblk + k, 0)),
        ],
        out_shape=[
            jax.ShapeDtypeStruct((B, T, NQ, DQ), jnp.float32),
            jax.ShapeDtypeStruct((B * NQ, Q * AC), jnp.float32),
        ],
    )(x4, w2dT4, wsrcT4, wdstT4, woutT4, bout4, rep)

    return (out.reshape(B, T, N, D_IN), attn2.reshape(B * N, NH, P, G, G))

# --- scband reference (transcript-rebuilt; emitter-appended) ---
"""Pipeline reference for scband-temporal-block-42889543418173 (READ-ONLY COPY).

The authoritative reference and input builder live on the scoring server;
editing this copy changes nothing except your own understanding.
"""

import jax, jax.numpy as jnp
import numpy as np

BATCH, T, N, D_IN = 4, 24, 8192, 32
HIDDEN, NHEADS, PERIOD, D_OUT = 16, 4, 6, 32
D_COV = 16


def setup_inputs(seed: int = 0) -> dict:
    key = jax.random.key(seed)
    ks = jax.random.split(key, 8)
    inp = {}
    inp["input"] = jax.random.normal(ks[0], (BATCH, T, N, D_IN), dtype=jnp.float32)
    inp["covariate"] = jax.random.normal(ks[1], (BATCH, T, N, D_COV), dtype=jnp.float32)
    s = 1.0 / np.sqrt(D_IN)
    inp["W"] = jax.random.uniform(ks[2], (NHEADS, D_IN, HIDDEN), minval=-s, maxval=s, dtype=jnp.float32)
    sh = 1.0 / np.sqrt(HIDDEN)
    inp["a_src"] = jax.random.uniform(ks[3], (NHEADS, HIDDEN), minval=-sh, maxval=sh, dtype=jnp.float32)
    inp["a_dst"] = jax.random.uniform(ks[4], (NHEADS, HIDDEN), minval=-sh, maxval=sh, dtype=jnp.float32)
    so = 1.0 / np.sqrt(NHEADS * HIDDEN)
    inp["W_out"] = jax.random.uniform(ks[5], (NHEADS * HIDDEN, D_OUT), minval=-so, maxval=so, dtype=jnp.float32)
    inp["b_out"] = jnp.zeros((D_OUT,), dtype=jnp.float32)
    return inp


def _grouped_gat(x, W, a_src, a_dst, W_out, b_out):
    # x: [BN, T, D_IN]; grouped multi-head GAT over temporal positions,
    # attention restricted to PERIOD contiguous groups of size T // PERIOD.
    BN = x.shape[0]
    g = T // PERIOD
    h = jnp.einsum('btd,ndh->bnth', x, W)  # [BN, NHEADS, T, HIDDEN]
    hg = h.reshape(BN, NHEADS, PERIOD, g, HIDDEN)
    e_src = jnp.einsum('bnpgh,nh->bnpg', hg, a_src)
    e_dst = jnp.einsum('bnpgh,nh->bnpg', hg, a_dst)
    e = e_src[..., :, None] + e_dst[..., None, :]  # [BN, NHEADS, PERIOD, g, g]
    e = jax.nn.leaky_relu(e, negative_slope=0.2)
    attn = jax.nn.softmax(e, axis=-1)
    og = jnp.einsum('bnpij,bnpjh->bnpih', attn, hg)
    o = og.reshape(BN, NHEADS, T, HIDDEN)
    o = jnp.transpose(o, (0, 2, 1, 3)).reshape(BN, T, NHEADS * HIDDEN)
    o = jax.nn.elu(o @ W_out + b_out)
    return o, attn


def reference(input, covariate, W, a_src, a_dst, W_out, b_out):
    batch, t, n, d = input.shape
    # input_dim == output_dim -> residual is identity (torch code skips self.residual)
    residual = input
    x = jnp.transpose(input, (0, 2, 1, 3)).reshape(batch * n, t, d)
    x_attn, attn = _grouped_gat(x, W, a_src, a_dst, W_out, b_out)
    x_attn = x_attn.reshape(batch, n, t, -1)
    x_attn = jnp.transpose(x_attn, (0, 2, 1, 3))
    out = residual + x_attn
    return (out, attn)

if __name__ == "__main__":
    import jax
    _d = setup_inputs()
    print(jax.jit(kernel)(*tuple(_d.values())))

</pallas_src>

<mosaic_0001>
module attributes {stable_mosaic.version = 14 : i64} {
  func.func @_tb_kernel(%arg0: i32, %arg1: i32, %arg2: memref<1x24x256x128xf32, #tpu.memory_space<vmem>>, %arg3: memref<256x128xf32, #tpu.memory_space<vmem>>, %arg4: memref<16x128xf32, #tpu.memory_space<vmem>>, %arg5: memref<16x128xf32, #tpu.memory_space<vmem>>, %arg6: memref<128x256xf32, #tpu.memory_space<vmem>>, %arg7: memref<128x1xf32, #tpu.memory_space<vmem>>, %arg8: memref<256x16xf32, #tpu.memory_space<vmem>>, %arg9: memref<1x24x256x128xf32, #tpu.memory_space<vmem>>, %arg10: memref<256x1536xf32, #tpu.memory_space<vmem>>) attributes {dimension_semantics = [#tpu.dimension_semantics<arbitrary>, #tpu.dimension_semantics<arbitrary>], iteration_bounds = array<i64: 4, 8>, scalar_prefetch = 0 : i64, scratch_operands = 0 : i64, tpu.core_type = #tpu.core_type<tc>, window_params = [{transform_indices = @transform_0, window_bounds = array<i64: 1, 24, 256, 128>}, {pipeline_mode = #tpu.pipeline_mode<synchronous>, transform_indices = @transform_1, window_bounds = array<i64: 256, 128>}, {pipeline_mode = #tpu.pipeline_mode<synchronous>, transform_indices = @transform_2, window_bounds = array<i64: 16, 128>}, {pipeline_mode = #tpu.pipeline_mode<synchronous>, transform_indices = @transform_3, window_bounds = array<i64: 16, 128>}, {pipeline_mode = #tpu.pipeline_mode<synchronous>, transform_indices = @transform_4, window_bounds = array<i64: 128, 256>}, {pipeline_mode = #tpu.pipeline_mode<synchronous>, transform_indices = @transform_5, window_bounds = array<i64: 128, 1>}, {pipeline_mode = #tpu.pipeline_mode<synchronous>, transform_indices = @transform_6, window_bounds = array<i64: 256, 16>}, {transform_indices = @transform_7, window_bounds = array<i64: 1, 24, 256, 128>}, {transform_indices = @transform_8, window_bounds = array<i64: 256, 1536>}]} {
    %get3A = arith.constant 0 : index
    %get3A_0 = arith.constant 0 : index
    %get3A_1 = arith.constant 0 : index
    %get3A_2 = arith.constant 0 : index
    %get3A_3 = vector.load %arg2[%get3A, %get3A_0, %get3A_1, %get3A_2] : memref<1x24x256x128xf32, #tpu.memory_space<vmem>>, vector<1x24x256x128xf32>
    %get3A_4 = vector.shape_cast %get3A_3 : vector<1x24x256x128xf32> to vector<24x256x128xf32>
    %reshape3A = vector.shape_cast %get3A_4 : vector<24x256x128xf32> to vector<6144x128xf32>
    %get3A_5 = arith.constant 0 : index
    %get3A_6 = arith.constant 0 : index
    %get3A_7 = vector.load %arg3[%get3A_5, %get3A_6] : memref<256x128xf32, #tpu.memory_space<vmem>>, vector<256x128xf32>
    %dot_general3A = arith.constant dense<0.000000e+00> : vector<256x6144xf32>
    %dot_general3A_8 = tpu.matmul %get3A_7, %reshape3A, %dot_general3A {dimension_numbers = #tpu.dot_dimension_numbers<[1], [1], [0], [0], [0, 0, 1, 0], [], []>, transpose_lhs_hint = false} : vector<256x128xf32>, vector<6144x128xf32>, vector<256x6144xf32> -> vector<256x6144xf32>
    %get3A_9 = arith.constant 0 : index
    %get3A_10 = arith.constant 0 : index
    %get3A_11 = vector.load %arg4[%get3A_9, %get3A_10] : memref<16x128xf32, #tpu.memory_space<vmem>>, vector<16x128xf32>
    %dot_general3A_12 = arith.constant dense<0.000000e+00> : vector<16x6144xf32>
    %dot_general3A_13 = tpu.matmul %get3A_11, %reshape3A, %dot_general3A_12 {dimension_numbers = #tpu.dot_dimension_numbers<[1], [1], [0], [0], [0, 0, 1, 0], [], []>, transpose_lhs_hint = false} : vector<16x128xf32>, vector<6144x128xf32>, vector<16x6144xf32> -> vector<16x6144xf32>
    %get3A_14 = arith.constant 0 : index
    %get3A_15 = arith.constant 0 : index
    %get3A_16 = vector.load %arg5[%get3A_14, %get3A_15] : memref<16x128xf32, #tpu.memory_space<vmem>>, vector<16x128xf32>
    %dot_general3A_17 = arith.constant dense<0.000000e+00> : vector<16x6144xf32>
    %dot_general3A_18 = tpu.matmul %get3A_16, %reshape3A, %dot_general3A_17 {dimension_numbers = #tpu.dot_dimension_numbers<[1], [1], [0], [0], [0, 0, 1, 0], [], []>, transpose_lhs_hint = false} : vector<16x128xf32>, vector<6144x128xf32>, vector<16x6144xf32> -> vector<16x6144xf32>
    %get3A_19 = arith.constant 0 : index
    %get3A_20 = arith.constant 0 : index
    %get3A_21 = vector.load %arg8[%get3A_19, %get3A_20] : memref<256x16xf32, #tpu.memory_space<vmem>>, vector<256x16xf32>
    %slice3A = vector.extract_strided_slice %dot_general3A_13 {offsets = [0, 0], sizes = [16, 256], strides = [1, 1]} : vector<16x6144xf32> to vector<16x256xf32>
    %slice3A_22 = vector.extract_strided_slice %dot_general3A_13 {offsets = [0, 256], sizes = [16, 256], strides = [1, 1]} : vector<16x6144xf32> to vector<16x256xf32>
    %slice3A_23 = vector.extract_strided_slice %dot_general3A_13 {offsets = [0, 512], sizes = [16, 256], strides = [1, 1]} : vector<16x6144xf32> to vector<16x256xf32>
    %slice3A_24 = vector.extract_strided_slice %dot_general3A_13 {offsets = [0, 768], sizes = [16, 256], strides = [1, 1]} : vector<16x6144xf32> to vector<16x256xf32>
    %slice3A_25 = vector.extract_strided_slice %dot_general3A_18 {offsets = [0, 0], sizes = [16, 256], strides = [1, 1]} : vector<16x6144xf32> to vector<16x256xf32>
    %slice3A_26 = vector.extract_strided_slice %dot_general3A_18 {offsets = [0, 256], sizes = [16, 256], strides = [1, 1]} : vector<16x6144xf32> to vector<16x256xf32>
    %slice3A_27 = vector.extract_strided_slice %dot_general3A_18 {offsets = [0, 512], sizes = [16, 256], strides = [1, 1]} : vector<16x6144xf32> to vector<16x256xf32>
    %slice3A_28 = vector.extract_strided_slice %dot_general3A_18 {offsets = [0, 768], sizes = [16, 256], strides = [1, 1]} : vector<16x6144xf32> to vector<16x256xf32>
    %add3A = arith.addf %slice3A, %slice3A_25 : vector<16x256xf32>
    %ge3A = arith.constant 0.000000e+00 : f32
    %ge3A_29 = vector.broadcast %ge3A : f32 to vector<16x256xf32>
    %ge3A_30 = arith.cmpf oge, %add3A, %ge3A_29 : vector<16x256xf32>
    %mul3A = arith.constant 2.000000e-01 : f32
    %mul3A_31 = vector.broadcast %mul3A : f32 to vector<16x256xf32>
    %mul3A_32 = arith.mulf %mul3A_31, %add3A : vector<16x256xf32>
    %select_n3A = arith.select %ge3A_30, %add3A, %mul3A_32 : vector<16x256xi1>, vector<16x256xf32>
    %add3A_33 = arith.addf %slice3A, %slice3A_26 : vector<16x256xf32>
    %ge3A_34 = arith.constant 0.000000e+00 : f32
    %ge3A_35 = vector.broadcast %ge3A_34 : f32 to vector<16x256xf32>
    %ge3A_36 = arith.cmpf oge, %add3A_33, %ge3A_35 : vector<16x256xf32>
    %mul3A_37 = arith.constant 2.000000e-01 : f32
    %mul3A_38 = vector.broadcast %mul3A_37 : f32 to vector<16x256xf32>
    %mul3A_39 = arith.mulf %mul3A_38, %add3A_33 : vector<16x256xf32>
    %select_n3A_40 = arith.select %ge3A_36, %add3A_33, %mul3A_39 : vector<16x256xi1>, vector<16x256xf32>
    %add3A_41 = arith.addf %slice3A, %slice3A_27 : vector<16x256xf32>
    %ge3A_42 = arith.constant 0.000000e+00 : f32
    %ge3A_43 = vector.broadcast %ge3A_42 : f32 to vector<16x256xf32>
    %ge3A_44 = arith.cmpf oge, %add3A_41, %ge3A_43 : vector<16x256xf32>
    %mul3A_45 = arith.constant 2.000000e-01 : f32
    %mul3A_46 = vector.broadcast %mul3A_45 : f32 to vector<16x256xf32>
    %mul3A_47 = arith.mulf %mul3A_46, %add3A_41 : vector<16x256xf32>
    %select_n3A_48 = arith.select %ge3A_44, %add3A_41, %mul3A_47 : vector<16x256xi1>, vector<16x256xf32>
    %add3A_49 = arith.addf %slice3A, %slice3A_28 : vector<16x256xf32>
    %ge3A_50 = arith.constant 0.000000e+00 : f32
    %ge3A_51 = vector.broadcast %ge3A_50 : f32 to vector<16x256xf32>
    %ge3A_52 = arith.cmpf oge, %add3A_49, %ge3A_51 : vector<16x256xf32>
    %mul3A_53 = arith.constant 2.000000e-01 : f32
    %mul3A_54 = vector.broadcast %mul3A_53 : f32 to vector<16x256xf32>
    %mul3A_55 = arith.mulf %mul3A_54, %add3A_49 : vector<16x256xf32>
    %select_n3A_56 = arith.select %ge3A_52, %add3A_49, %mul3A_55 : vector<16x256xi1>, vector<16x256xf32>
    %max3A = arith.maximumf %select_n3A, %select_n3A_40 : vector<16x256xf32>
    %max3A_57 = arith.maximumf %select_n3A_48, %select_n3A_56 : vector<16x256xf32>
    %max3A_58 = arith.maximumf %max3A, %max3A_57 : vector<16x256xf32>
    %sub3A = arith.subf %select_n3A, %max3A_58 : vector<16x256xf32>
    %exp3A = math.exp %sub3A : vector<16x256xf32>
    %sub3A_59 = arith.subf %select_n3A_40, %max3A_58 : vector<16x256xf32>
    %exp3A_60 = math.exp %sub3A_59 : vector<16x256xf32>
    %sub3A_61 = arith.subf %select_n3A_48, %max3A_58 : vector<16x256xf32>
    %exp3A_62 = math.exp %sub3A_61 : vector<16x256xf32>
    %sub3A_63 = arith.subf %select_n3A_56, %max3A_58 : vector<16x256xf32>
    %exp3A_64 = math.exp %sub3A_63 : vector<16x256xf32>
    %add3A_65 = arith.addf %exp3A, %exp3A_60 : vector<16x256xf32>
    %add3A_66 = arith.addf %add3A_65, %exp3A_62 : vector<16x256xf32>
    %add3A_67 = arith.addf %add3A_66, %exp3A_64 : vector<16x256xf32>
    %div3A = arith.constant 1.000000e+00 : f32
    %div3A_68 = vector.broadcast %div3A : f32 to vector<16x256xf32>
    %div3A_69 = arith.divf %div3A_68, %add3A_67 : vector<16x256xf32>
    %mul3A_70 = arith.mulf %exp3A, %div3A_69 : vector<16x256xf32>
    %mul3A_71 = arith.mulf %exp3A_60, %div3A_69 : vector<16x256xf32>
    %mul3A_72 = arith.mulf %exp3A_62, %div3A_69 : vector<16x256xf32>
    %mul3A_73 = arith.mulf %exp3A_64, %div3A_69 : vector<16x256xf32>
    %concatenate3A = tpu.concatenate %mul3A_70, %mul3A_71, %mul3A_72, %mul3A_73 in 1 : vector<16x256xf32>, vector<16x256xf32>, vector<16x256xf32>, vector<16x256xf32> -> vector<16x1024xf32>
    %add3A_74 = arith.addf %slice3A_22, %slice3A_25 : vector<16x256xf32>
    %ge3A_75 = arith.constant 0.000000e+00 : f32
    %ge3A_76 = vector.broadcast %ge3A_75 : f32 to vector<16x256xf32>
    %ge3A_77 = arith.cmpf oge, %add3A_74, %ge3A_76 : vector<16x256xf32>
    %mul3A_78 = arith.constant 2.000000e-01 : f32
    %mul3A_79 = vector.broadcast %mul3A_78 : f32 to vector<16x256xf32>
    %mul3A_80 = arith.mulf %mul3A_79, %add3A_74 : vector<16x256xf32>
    %select_n3A_81 = arith.select %ge3A_77, %add3A_74, %mul3A_80 : vector<16x256xi1>, vector<16x256xf32>
    %add3A_82 = arith.addf %slice3A_22, %slice3A_26 : vector<16x256xf32>
    %ge3A_83 = arith.constant 0.000000e+00 : f32
    %ge3A_84 = vector.broadcast %ge3A_83 : f32 to vector<16x256xf32>
    %ge3A_85 = arith.cmpf oge, %add3A_82, %ge3A_84 : vector<16x256xf32>
    %mul3A_86 = arith.constant 2.000000e-01 : f32
    %mul3A_87 = vector.broadcast %mul3A_86 : f32 to vector<16x256xf32>
    %mul3A_88 = arith.mulf %mul3A_87, %add3A_82 : vector<16x256xf32>
    %select_n3A_89 = arith.select %ge3A_85, %add3A_82, %mul3A_88 : vector<16x256xi1>, vector<16x256xf32>
    %add3A_90 = arith.addf %slice3A_22, %slice3A_27 : vector<16x256xf32>
    %ge3A_91 = arith.constant 0.000000e+00 : f32
    %ge3A_92 = vector.broadcast %ge3A_91 : f32 to vector<16x256xf32>
    %ge3A_93 = arith.cmpf oge, %add3A_90, %ge3A_92 : vector<16x256xf32>
    %mul3A_94 = arith.constant 2.000000e-01 : f32
    %mul3A_95 = vector.broadcast %mul3A_94 : f32 to vector<16x256xf32>
    %mul3A_96 = arith.mulf %mul3A_95, %add3A_90 : vector<16x256xf32>
    %select_n3A_97 = arith.select %ge3A_93, %add3A_90, %mul3A_96 : vector<16x256xi1>, vector<16x256xf32>
    %add3A_98 = arith.addf %slice3A_22, %slice3A_28 : vector<16x256xf32>
    %ge3A_99 = arith.constant 0.000000e+00 : f32
    %ge3A_100 = vector.broadcast %ge3A_99 : f32 to vector<16x256xf32>
    %ge3A_101 = arith.cmpf oge, %add3A_98, %ge3A_100 : vector<16x256xf32>
    %mul3A_102 = arith.constant 2.000000e-01 : f32
    %mul3A_103 = vector.broadcast %mul3A_102 : f32 to vector<16x256xf32>
    %mul3A_104 = arith.mulf %mul3A_103, %add3A_98 : vector<16x256xf32>
    %select_n3A_105 = arith.select %ge3A_101, %add3A_98, %mul3A_104 : vector<16x256xi1>, vector<16x256xf32>
    %max3A_106 = arith.maximumf %select_n3A_81, %select_n3A_89 : vector<16x256xf32>
    %max3A_107 = arith.maximumf %select_n3A_97, %select_n3A_105 : vector<16x256xf32>
    %max3A_108 = arith.maximumf %max3A_106, %max3A_107 : vector<16x256xf32>
    %sub3A_109 = arith.subf %select_n3A_81, %max3A_108 : vector<16x256xf32>
    %exp3A_110 = math.exp %sub3A_109 : vector<16x256xf32>
    %sub3A_111 = arith.subf %select_n3A_89, %max3A_108 : vector<16x256xf32>
    %exp3A_112 = math.exp %sub3A_111 : vector<16x256xf32>
    %sub3A_113 = arith.subf %select_n3A_97, %max3A_108 : vector<16x256xf32>
    %exp3A_114 = math.exp %sub3A_113 : vector<16x256xf32>
    %sub3A_115 = arith.subf %select_n3A_105, %max3A_108 : vector<16x256xf32>
    %exp3A_116 = math.exp %sub3A_115 : vector<16x256xf32>
    %add3A_117 = arith.addf %exp3A_110, %exp3A_112 : vector<16x256xf32>
    %add3A_118 = arith.addf %add3A_117, %exp3A_114 : vector<16x256xf32>
    %add3A_119 = arith.addf %add3A_118, %exp3A_116 : vector<16x256xf32>
    %div3A_120 = arith.constant 1.000000e+00 : f32
    %div3A_121 = vector.broadcast %div3A_120 : f32 to vector<16x256xf32>
    %div3A_122 = arith.divf %div3A_121, %add3A_119 : vector<16x256xf32>
    %mul3A_123 = arith.mulf %exp3A_110, %div3A_122 : vector<16x256xf32>
    %mul3A_124 = arith.mulf %exp3A_112, %div3A_122 : vector<16x256xf32>
    %mul3A_125 = arith.mulf %exp3A_114, %div3A_122 : vector<16x256xf32>
    %mul3A_126 = arith.mulf %exp3A_116, %div3A_122 : vector<16x256xf32>
    %concatenate3A_127 = tpu.concatenate %mul3A_123, %mul3A_124, %mul3A_125, %mul3A_126 in 1 : vector<16x256xf32>, vector<16x256xf32>, vector<16x256xf32>, vector<16x256xf32> -> vector<16x1024xf32>
    %add3A_128 = arith.addf %slice3A_23, %slice3A_25 : vector<16x256xf32>
    %ge3A_129 = arith.constant 0.000000e+00 : f32
    %ge3A_130 = vector.broadcast %ge3A_129 : f32 to vector<16x256xf32>
    %ge3A_131 = arith.cmpf oge, %add3A_128, %ge3A_130 : vector<16x256xf32>
    %mul3A_132 = arith.constant 2.000000e-01 : f32
    %mul3A_133 = vector.broadcast %mul3A_132 : f32 to vector<16x256xf32>
    %mul3A_134 = arith.mulf %mul3A_133, %add3A_128 : vector<16x256xf32>
    %select_n3A_135 = arith.select %ge3A_131, %add3A_128, %mul3A_134 : vector<16x256xi1>, vector<16x256xf32>
    %add3A_136 = arith.addf %slice3A_23, %slice3A_26 : vector<16x256xf32>
    %ge3A_137 = arith.constant 0.000000e+00 : f32
    %ge3A_138 = vector.broadcast %ge3A_137 : f32 to vector<16x256xf32>
    %ge3A_139 = arith.cmpf oge, %add3A_136, %ge3A_138 : vector<16x256xf32>
    %mul3A_140 = arith.constant 2.000000e-01 : f32
    %mul3A_141 = vector.broadcast %mul3A_140 : f32 to vector<16x256xf32>
    %mul3A_142 = arith.mulf %mul3A_141, %add3A_136 : vector<16x256xf32>
    %select_n3A_143 = arith.select %ge3A_139, %add3A_136, %mul3A_142 : vector<16x256xi1>, vector<16x256xf32>
    %add3A_144 = arith.addf %slice3A_23, %slice3A_27 : vector<16x256xf32>
    %ge3A_145 = arith.constant 0.000000e+00 : f32
    %ge3A_146 = vector.broadcast %ge3A_145 : f32 to vector<16x256xf32>
    %ge3A_147 = arith.cmpf oge, %add3A_144, %ge3A_146 : vector<16x256xf32>
    %mul3A_148 = arith.constant 2.000000e-01 : f32
    %mul3A_149 = vector.broadcast %mul3A_148 : f32 to vector<16x256xf32>
    %mul3A_150 = arith.mulf %mul3A_149, %add3A_144 : vector<16x256xf32>
    %select_n3A_151 = arith.select %ge3A_147, %add3A_144, %mul3A_150 : vector<16x256xi1>, vector<16x256xf32>
    %add3A_152 = arith.addf %slice3A_23, %slice3A_28 : vector<16x256xf32>
    %ge3A_153 = arith.constant 0.000000e+00 : f32
    %ge3A_154 = vector.broadcast %ge3A_153 : f32 to vector<16x256xf32>
    %ge3A_155 = arith.cmpf oge, %add3A_152, %ge3A_154 : vector<16x256xf32>
    %mul3A_156 = arith.constant 2.000000e-01 : f32
    %mul3A_157 = vector.broadcast %mul3A_156 : f32 to vector<16x256xf32>
    %mul3A_158 = arith.mulf %mul3A_157, %add3A_152 : vector<16x256xf32>
    %select_n3A_159 = arith.select %ge3A_155, %add3A_152, %mul3A_158 : vector<16x256xi1>, vector<16x256xf32>
    %max3A_160 = arith.maximumf %select_n3A_135, %select_n3A_143 : vector<16x256xf32>
    %max3A_161 = arith.maximumf %select_n3A_151, %select_n3A_159 : vector<16x256xf32>
    %max3A_162 = arith.maximumf %max3A_160, %max3A_161 : vector<16x256xf32>
    %sub3A_163 = arith.subf %select_n3A_135, %max3A_162 : vector<16x256xf32>
    %exp3A_164 = math.exp %sub3A_163 : vector<16x256xf32>
    %sub3A_165 = arith.subf %select_n3A_143, %max3A_162 : vector<16x256xf32>
    %exp3A_166 = math.exp %sub3A_165 : vector<16x256xf32>
    %sub3A_167 = arith.subf %select_n3A_151, %max3A_162 : vector<16x256xf32>
    %exp3A_168 = math.exp %sub3A_167 : vector<16x256xf32>
    %sub3A_169 = arith.subf %select_n3A_159, %max3A_162 : vector<16x256xf32>
    %exp3A_170 = math.exp %sub3A_169 : vector<16x256xf32>
    %add3A_171 = arith.addf %exp3A_164, %exp3A_166 : vector<16x256xf32>
    %add3A_172 = arith.addf %add3A_171, %exp3A_168 : vector<16x256xf32>
    %add3A_173 = arith.addf %add3A_172, %exp3A_170 : vector<16x256xf32>
    %div3A_174 = arith.constant 1.000000e+00 : f32
    %div3A_175 = vector.broadcast %div3A_174 : f32 to vector<16x256xf32>
    %div3A_176 = arith.divf %div3A_175, %add3A_173 : vector<16x256xf32>
    %mul3A_177 = arith.mulf %exp3A_164, %div3A_176 : vector<16x256xf32>
    %mul3A_178 = arith.mulf %exp3A_166, %div3A_176 : vector<16x256xf32>
    %mul3A_179 = arith.mulf %exp3A_168, %div3A_176 : vector<16x256xf32>
    %mul3A_180 = arith.mulf %exp3A_170, %div3A_176 : vector<16x256xf32>
    %concatenate3A_181 = tpu.concatenate %mul3A_177, %mul3A_178, %mul3A_179, %mul3A_180 in 1 : vector<16x256xf32>, vector<16x256xf32>, vector<16x256xf32>, vector<16x256xf32> -> vector<16x1024xf32>
    %add3A_182 = arith.addf %slice3A_24, %slice3A_25 : vector<16x256xf32>
    %ge3A_183 = arith.constant 0.000000e+00 : f32
    %ge3A_184 = vector.broadcast %ge3A_183 : f32 to vector<16x256xf32>
    %ge3A_185 = arith.cmpf oge, %add3A_182, %ge3A_184 : vector<16x256xf32>
    %mul3A_186 = arith.constant 2.000000e-01 : f32
    %mul3A_187 = vector.broadcast %mul3A_186 : f32 to vector<16x256xf32>
    %mul3A_188 = arith.mulf %mul3A_187, %add3A_182 : vector<16x256xf32>
    %select_n3A_189 = arith.select %ge3A_185, %add3A_182, %mul3A_188 : vector<16x256xi1>, vector<16x256xf32>
    %add3A_190 = arith.addf %slice3A_24, %slice3A_26 : vector<16x256xf32>
    %ge3A_191 = arith.constant 0.000000e+00 : f32
    %ge3A_192 = vector.broadcast %ge3A_191 : f32 to vector<16x256xf32>
    %ge3A_193 = arith.cmpf oge, %add3A_190, %ge3A_192 : vector<16x256xf32>
    %mul3A_194 = arith.constant 2.000000e-01 : f32
    %mul3A_195 = vector.broadcast %mul3A_194 : f32 to vector<16x256xf32>
    %mul3A_196 = arith.mulf %mul3A_195, %add3A_190 : vector<16x256xf32>
    %select_n3A_197 = arith.select %ge3A_193, %add3A_190, %mul3A_196 : vector<16x256xi1>, vector<16x256xf32>
    %add3A_198 = arith.addf %slice3A_24, %slice3A_27 : vector<16x256xf32>
    %ge3A_199 = arith.constant 0.000000e+00 : f32
    %ge3A_200 = vector.broadcast %ge3A_199 : f32 to vector<16x256xf32>
    %ge3A_201 = arith.cmpf oge, %add3A_198, %ge3A_200 : vector<16x256xf32>
    %mul3A_202 = arith.constant 2.000000e-01 : f32
    %mul3A_203 = vector.broadcast %mul3A_202 : f32 to vector<16x256xf32>
    %mul3A_204 = arith.mulf %mul3A_203, %add3A_198 : vector<16x256xf32>
    %select_n3A_205 = arith.select %ge3A_201, %add3A_198, %mul3A_204 : vector<16x256xi1>, vector<16x256xf32>
    %add3A_206 = arith.addf %slice3A_24, %slice3A_28 : vector<16x256xf32>
    %ge3A_207 = arith.constant 0.000000e+00 : f32
    %ge3A_208 = vector.broadcast %ge3A_207 : f32 to vector<16x256xf32>
    %ge3A_209 = arith.cmpf oge, %add3A_206, %ge3A_208 : vector<16x256xf32>
    %mul3A_210 = arith.constant 2.000000e-01 : f32
    %mul3A_211 = vector.broadcast %mul3A_210 : f32 to vector<16x256xf32>
    %mul3A_212 = arith.mulf %mul3A_211, %add3A_206 : vector<16x256xf32>
    %select_n3A_213 = arith.select %ge3A_209, %add3A_206, %mul3A_212 : vector<16x256xi1>, vector<16x256xf32>
    %max3A_214 = arith.maximumf %select_n3A_189, %select_n3A_197 : vector<16x256xf32>
    %max3A_215 = arith.maximumf %select_n3A_205, %select_n3A_213 : vector<16x256xf32>
    %max3A_216 = arith.maximumf %max3A_214, %max3A_215 : vector<16x256xf32>
    %sub3A_217 = arith.subf %select_n3A_189, %max3A_216 : vector<16x256xf32>
    %exp3A_218 = math.exp %sub3A_217 : vector<16x256xf32>
    %sub3A_219 = arith.subf %select_n3A_197, %max3A_216 : vector<16x256xf32>
    %exp3A_220 = math.exp %sub3A_219 : vector<16x256xf32>
    %sub3A_221 = arith.subf %select_n3A_205, %max3A_216 : vector<16x256xf32>
    %exp3A_222 = math.exp %sub3A_221 : vector<16x256xf32>
    %sub3A_223 = arith.subf %select_n3A_213, %max3A_216 : vector<16x256xf32>
    %exp3A_224 = math.exp %sub3A_223 : vector<16x256xf32>
    %add3A_225 = arith.addf %exp3A_218, %exp3A_220 : vector<16x256xf32>
    %add3A_226 = arith.addf %add3A_225, %exp3A_222 : vector<16x256xf32>
    %add3A_227 = arith.addf %add3A_226, %exp3A_224 : vector<16x256xf32>
    %div3A_228 = arith.constant 1.000000e+00 : f32
    %div3A_229 = vector.broadcast %div3A_228 : f32 to vector<16x256xf32>
    %div3A_230 = arith.divf %div3A_229, %add3A_227 : vector<16x256xf32>
    %mul3A_231 = arith.mulf %exp3A_218, %div3A_230 : vector<16x256xf32>
    %mul3A_232 = arith.mulf %exp3A_220, %div3A_230 : vector<16x256xf32>
    %mul3A_233 = arith.mulf %exp3A_222, %div3A_230 : vector<16x256xf32>
    %mul3A_234 = arith.mulf %exp3A_224, %div3A_230 : vector<16x256xf32>
    %concatenate3A_235 = tpu.concatenate %mul3A_231, %mul3A_232, %mul3A_233, %mul3A_234 in 1 : vector<16x256xf32>, vector<16x256xf32>, vector<16x256xf32>, vector<16x256xf32> -> vector<16x1024xf32>
    %concatenate3A_236 = tpu.concatenate %concatenate3A, %concatenate3A_127, %concatenate3A_181, %concatenate3A_235 in 1 : vector<16x1024xf32>, vector<16x1024xf32>, vector<16x1024xf32>, vector<16x1024xf32> -> vector<16x4096xf32>
    %dot_general3A_237 = arith.constant dense<0.000000e+00> : vector<256x4096xf32>
    %dot_general3A_238 = tpu.matmul %get3A_21, %concatenate3A_236, %dot_general3A_237 {dimension_numbers = #tpu.dot_dimension_numbers<[1], [0], [0], [1], [0, 0, 1, 1], [], []>, transpose_lhs_hint = false} : vector<256x16xf32>, vector<16x4096xf32>, vector<256x4096xf32> -> vector<256x4096xf32>
    %slice3A_239 = vector.extract_strided_slice %dot_general3A_8 {offsets = [0, 0], sizes = [256, 1024], strides = [1, 1]} : vector<256x6144xf32> to vector<256x1024xf32>
    %slice3A_240 = vector.extract_strided_slice %dot_general3A_238 {offsets = [0, 0], sizes = [256, 1024], strides = [1, 1]} : vector<256x4096xf32> to vector<256x1024xf32>
    %mul3A_241 = arith.mulf %slice3A_240, %slice3A_239 : vector<256x1024xf32>
    %slice3A_242 = vector.extract_strided_slice %mul3A_241 {offsets = [0, 0], sizes = [256, 256], strides = [1, 1]} : vector<256x1024xf32> to vector<256x256xf32>
    %slice3A_243 = vector.extract_strided_slice %mul3A_241 {offsets = [0, 256], sizes = [256, 256], strides = [1, 1]} : vector<256x1024xf32> to vector<256x256xf32>
    %add3A_244 = arith.addf %slice3A_242, %slice3A_243 : vector<256x256xf32>
    %slice3A_245 = vector.extract_strided_slice %mul3A_241 {offsets = [0, 512], sizes = [256, 256], strides = [1, 1]} : vector<256x1024xf32> to vector<256x256xf32>
    %add3A_246 = arith.addf %add3A_244, %slice3A_245 : vector<256x256xf32>
    %slice3A_247 = vector.extract_strided_slice %mul3A_241 {offsets = [0, 768], sizes = [256, 256], strides = [1, 1]} : vector<256x1024xf32> to vector<256x256xf32>
    %add3A_248 = arith.addf %add3A_246, %slice3A_247 : vector<256x256xf32>
    %slice3A_249 = vector.extract_strided_slice %dot_general3A_238 {offsets = [0, 1024], sizes = [256, 1024], strides = [1, 1]} : vector<256x4096xf32> to vector<256x1024xf32>
    %mul3A_250 = arith.mulf %slice3A_249, %slice3A_239 : vector<256x1024xf32>
    %slice3A_251 = vector.extract_strided_slice %mul3A_250 {offsets = [0, 0], sizes = [256, 256], strides = [1, 1]} : vector<256x1024xf32> to vector<256x256xf32>
    %slice3A_252 = vector.extract_strided_slice %mul3A_250 {offsets = [0, 256], sizes = [256, 256], strides = [1, 1]} : vector<256x1024xf32> to vector<256x256xf32>
    %add3A_253 = arith.addf %slice3A_251, %slice3A_252 : vector<256x256xf32>
    %slice3A_254 = vector.extract_strided_slice %mul3A_250 {offsets = [0, 512], sizes = [256, 256], strides = [1, 1]} : vector<256x1024xf32> to vector<256x256xf32>
    %add3A_255 = arith.addf %add3A_253, %slice3A_254 : vector<256x256xf32>
    %slice3A_256 = vector.extract_strided_slice %mul3A_250 {offsets = [0, 768], sizes = [256, 256], strides = [1, 1]} : vector<256x1024xf32> to vector<256x256xf32>
    %add3A_257 = arith.addf %add3A_255, %slice3A_256 : vector<256x256xf32>
    %slice3A_258 = vector.extract_strided_slice %dot_general3A_238 {offsets = [0, 2048], sizes = [256, 1024], strides = [1, 1]} : vector<256x4096xf32> to vector<256x1024xf32>
    %mul3A_259 = arith.mulf %slice3A_258, %slice3A_239 : vector<256x1024xf32>
    %slice3A_260 = vector.extract_strided_slice %mul3A_259 {offsets = [0, 0], sizes = [256, 256], strides = [1, 1]} : vector<256x1024xf32> to vector<256x256xf32>
    %slice3A_261 = vector.extract_strided_slice %mul3A_259 {offsets = [0, 256], sizes = [256, 256], strides = [1, 1]} : vector<256x1024xf32> to vector<256x256xf32>
    %add3A_262 = arith.addf %slice3A_260, %slice3A_261 : vector<256x256xf32>
    %slice3A_263 = vector.extract_strided_slice %mul3A_259 {offsets = [0, 512], sizes = [256, 256], strides = [1, 1]} : vector<256x1024xf32> to vector<256x256xf32>
    %add3A_264 = arith.addf %add3A_262, %slice3A_263 : vector<256x256xf32>
    %slice3A_265 = vector.extract_strided_slice %mul3A_259 {offsets = [0, 768], sizes = [256, 256], strides = [1, 1]} : vector<256x1024xf32> to vector<256x256xf32>
    %add3A_266 = arith.addf %add3A_264, %slice3A_265 : vector<256x256xf32>
    %slice3A_267 = vector.extract_strided_slice %dot_general3A_238 {offsets = [0, 3072], sizes = [256, 1024], strides = [1, 1]} : vector<256x4096xf32> to vector<256x1024xf32>
    %mul3A_268 = arith.mulf %slice3A_267, %slice3A_239 : vector<256x1024xf32>
    %slice3A_269 = vector.extract_strided_slice %mul3A_268 {offsets = [0, 0], sizes = [256, 256], strides = [1, 1]} : vector<256x1024xf32> to vector<256x256xf32>
    %slice3A_270 = vector.extract_strided_slice %mul3A_268 {offsets = [0, 256], sizes = [256, 256], strides = [1, 1]} : vector<256x1024xf32> to vector<256x256xf32>
    %add3A_271 = arith.addf %slice3A_269, %slice3A_270 : vector<256x256xf32>
    %slice3A_272 = vector.extract_strided_slice %mul3A_268 {offsets = [0, 512], sizes = [256, 256], strides = [1, 1]} : vector<256x1024xf32> to vector<256x256xf32>
    %add3A_273 = arith.addf %add3A_271, %slice3A_272 : vector<256x256xf32>
    %slice3A_274 = vector.extract_strided_slice %mul3A_268 {offsets = [0, 768], sizes = [256, 256], strides = [1, 1]} : vector<256x1024xf32> to vector<256x256xf32>
    %add3A_275 = arith.addf %add3A_273, %slice3A_274 : vector<256x256xf32>
    %slice3A_276 = vector.extract_strided_slice %dot_general3A_13 {offsets = [0, 1024], sizes = [16, 256], strides = [1, 1]} : vector<16x6144xf32> to vector<16x256xf32>
    %slice3A_277 = vector.extract_strided_slice %dot_general3A_13 {offsets = [0, 1280], sizes = [16, 256], strides = [1, 1]} : vector<16x6144xf32> to vector<16x256xf32>
    %slice3A_278 = vector.extract_strided_slice %dot_general3A_13 {offsets = [0, 1536], sizes = [16, 256], strides = [1, 1]} : vector<16x6144xf32> to vector<16x256xf32>
    %slice3A_279 = vector.extract_strided_slice %dot_general3A_13 {offsets = [0, 1792], sizes = [16, 256], strides = [1, 1]} : vector<16x6144xf32> to vector<16x256xf32>
    %slice3A_280 = vector.extract_strided_slice %dot_general3A_18 {offsets = [0, 1024], sizes = [16, 256], strides = [1, 1]} : vector<16x6144xf32> to vector<16x256xf32>
    %slice3A_281 = vector.extract_strided_slice %dot_general3A_18 {offsets = [0, 1280], sizes = [16, 256], strides = [1, 1]} : vector<16x6144xf32> to vector<16x256xf32>
    %slice3A_282 = vector.extract_strided_slice %dot_general3A_18 {offsets = [0, 1536], sizes = [16, 256], strides = [1, 1]} : vector<16x6144xf32> to vector<16x256xf32>
    %slice3A_283 = vector.extract_strided_slice %dot_general3A_18 {offsets = [0, 1792], sizes = [16, 256], strides = [1, 1]} : vector<16x6144xf32> to vector<16x256xf32>
    %add3A_284 = arith.addf %slice3A_276, %slice3A_280 : vector<16x256xf32>
    %ge3A_285 = arith.constant 0.000000e+00 : f32
    %ge3A_286 = vector.broadcast %ge3A_285 : f32 to vector<16x256xf32>
    %ge3A_287 = arith.cmpf oge, %add3A_284, %ge3A_286 : vector<16x256xf32>
    %mul3A_288 = arith.constant 2.000000e-01 : f32
    %mul3A_289 = vector.broadcast %mul3A_288 : f32 to vector<16x256xf32>
    %mul3A_290 = arith.mulf %mul3A_289, %add3A_284 : vector<16x256xf32>
    %select_n3A_291 = arith.select %ge3A_287, %add3A_284, %mul3A_290 : vector<16x256xi1>, vector<16x256xf32>
    %add3A_292 = arith.addf %slice3A_276, %slice3A_281 : vector<16x256xf32>
    %ge3A_293 = arith.constant 0.000000e+00 : f32
    %ge3A_294 = vector.broadcast %ge3A_293 : f32 to vector<16x256xf32>
    %ge3A_295 = arith.cmpf oge, %add3A_292, %ge3A_294 : vector<16x256xf32>
    %mul3A_296 = arith.constant 2.000000e-01 : f32
    %mul3A_297 = vector.broadcast %mul3A_296 : f32 to vector<16x256xf32>
    %mul3A_298 = arith.mulf %mul3A_297, %add3A_292 : vector<16x256xf32>
    %select_n3A_299 = arith.select %ge3A_295, %add3A_292, %mul3A_298 : vector<16x256xi1>, vector<16x256xf32>
    %add3A_300 = arith.addf %slice3A_276, %slice3A_282 : vector<16x256xf32>
    %ge3A_301 = arith.constant 0.000000e+00 : f32
    %ge3A_302 = vector.broadcast %ge3A_301 : f32 to vector<16x256xf32>
    %ge3A_303 = arith.cmpf oge, %add3A_300, %ge3A_302 : vector<16x256xf32>
    %mul3A_304 = arith.constant 2.000000e-01 : f32
    %mul3A_305 = vector.broadcast %mul3A_304 : f32 to vector<16x256xf32>
    %mul3A_306 = arith.mulf %mul3A_305, %add3A_300 : vector<16x256xf32>
    %select_n3A_307 = arith.select %ge3A_303, %add3A_300, %mul3A_306 : vector<16x256xi1>, vector<16x256xf32>
    %add3A_308 = arith.addf %slice3A_276, %slice3A_283 : vector<16x256xf32>
    %ge3A_309 = arith.constant 0.000000e+00 : f32
    %ge3A_310 = vector.broadcast %ge3A_309 : f32 to vector<16x256xf32>
    %ge3A_311 = arith.cmpf oge, %add3A_308, %ge3A_310 : vector<16x256xf32>
    %mul3A_312 = arith.constant 2.000000e-01 : f32
    %mul3A_313 = vector.broadcast %mul3A_312 : f32 to vector<16x256xf32>
    %mul3A_314 = arith.mulf %mul3A_313, %add3A_308 : vector<16x256xf32>
    %select_n3A_315 = arith.select %ge3A_311, %add3A_308, %mul3A_314 : vector<16x256xi1>, vector<16x256xf32>
    %max3A_316 = arith.maximumf %select_n3A_291, %select_n3A_299 : vector<16x256xf32>
    %max3A_317 = arith.maximumf %select_n3A_307, %select_n3A_315 : vector<16x256xf32>
    %max3A_318 = arith.maximumf %max3A_316, %max3A_317 : vector<16x256xf32>
    %sub3A_319 = arith.subf %select_n3A_291, %max3A_318 : vector<16x256xf32>
    %exp3A_320 = math.exp %sub3A_319 : vector<16x256xf32>
    %sub3A_321 = arith.subf %select_n3A_299, %max3A_318 : vector<16x256xf32>
    %exp3A_322 = math.exp %sub3A_321 : vector<16x256xf32>
    %sub3A_323 = arith.subf %select_n3A_307, %max3A_318 : vector<16x256xf32>
    %exp3A_324 = math.exp %sub3A_323 : vector<16x256xf32>
    %sub3A_325 = arith.subf %select_n3A_315, %max3A_318 : vector<16x256xf32>
    %exp3A_326 = math.exp %sub3A_325 : vector<16x256xf32>
    %add3A_327 = arith.addf %exp3A_320, %exp3A_322 : vector<16x256xf32>
    %add3A_328 = arith.addf %add3A_327, %exp3A_324 : vector<16x256xf32>
    %add3A_329 = arith.addf %add3A_328, %exp3A_326 : vector<16x256xf32>
    %div3A_330 = arith.constant 1.000000e+00 : f32
    %div3A_331 = vector.broadcast %div3A_330 : f32 to vector<16x256xf32>
    %div3A_332 = arith.divf %div3A_331, %add3A_329 : vector<16x256xf32>
    %mul3A_333 = arith.mulf %exp3A_320, %div3A_332 : vector<16x256xf32>
    %mul3A_334 = arith.mulf %exp3A_322, %div3A_332 : vector<16x256xf32>
    %mul3A_335 = arith.mulf %exp3A_324, %div3A_332 : vector<16x256xf32>
    %mul3A_336 = arith.mulf %exp3A_326, %div3A_332 : vector<16x256xf32>
    %concatenate3A_337 = tpu.concatenate %mul3A_333, %mul3A_334, %mul3A_335, %mul3A_336 in 1 : vector<16x256xf32>, vector<16x256xf32>, vector<16x256xf32>, vector<16x256xf32> -> vector<16x1024xf32>
    %add3A_338 = arith.addf %slice3A_277, %slice3A_280 : vector<16x256xf32>
    %ge3A_339 = arith.constant 0.000000e+00 : f32
    %ge3A_340 = vector.broadcast %ge3A_339 : f32 to vector<16x256xf32>
    %ge3A_341 = arith.cmpf oge, %add3A_338, %ge3A_340 : vector<16x256xf32>
    %mul3A_342 = arith.constant 2.000000e-01 : f32
    %mul3A_343 = vector.broadcast %mul3A_342 : f32 to vector<16x256xf32>
    %mul3A_344 = arith.mulf %mul3A_343, %add3A_338 : vector<16x256xf32>
    %select_n3A_345 = arith.select %ge3A_341, %add3A_338, %mul3A_344 : vector<16x256xi1>, vector<16x256xf32>
    %add3A_346 = arith.addf %slice3A_277, %slice3A_281 : vector<16x256xf32>
    %ge3A_347 = arith.constant 0.000000e+00 : f32
    %ge3A_348 = vector.broadcast %ge3A_347 : f32 to vector<16x256xf32>
    %ge3A_349 = arith.cmpf oge, %add3A_346, %ge3A_348 : vector<16x256xf32>
    %mul3A_350 = arith.constant 2.000000e-01 : f32
    %mul3A_351 = vector.broadcast %mul3A_350 : f32 to vector<16x256xf32>
    %mul3A_352 = arith.mulf %mul3A_351, %add3A_346 : vector<16x256xf32>
    %select_n3A_353 = arith.select %ge3A_349, %add3A_346, %mul3A_352 : vector<16x256xi1>, vector<16x256xf32>
    %add3A_354 = arith.addf %slice3A_277, %slice3A_282 : vector<16x256xf32>
    %ge3A_355 = arith.constant 0.000000e+00 : f32
    %ge3A_356 = vector.broadcast %ge3A_355 : f32 to vector<16x256xf32>
    %ge3A_357 = arith.cmpf oge, %add3A_354, %ge3A_356 : vector<16x256xf32>
    %mul3A_358 = arith.constant 2.000000e-01 : f32
    %mul3A_359 = vector.broadcast %mul3A_358 : f32 to vector<16x256xf32>
    %mul3A_360 = arith.mulf %mul3A_359, %add3A_354 : vector<16x256xf32>
    %select_n3A_361 = arith.select %ge3A_357, %add3A_354, %mul3A_360 : vector<16x256xi1>, vector<16x256xf32>
    %add3A_362 = arith.addf %slice3A_277, %slice3A_283 : vector<16x256xf32>
    %ge3A_363 = arith.constant 0.000000e+00 : f32
    %ge3A_364 = vector.broadcast %ge3A_363 : f32 to vector<16x256xf32>
    %ge3A_365 = arith.cmpf oge, %add3A_362, %ge3A_364 : vector<16x256xf32>
    %mul3A_366 = arith.constant 2.000000e-01 : f32
    %mul3A_367 = vector.broadcast %mul3A_366 : f32 to vector<16x256xf32>
    %mul3A_368 = arith.mulf %mul3A_367, %add3A_362 : vector<16x256xf32>
    %select_n3A_369 = arith.select %ge3A_365, %add3A_362, %mul3A_368 : vector<16x256xi1>, vector<16x256xf32>
    %max3A_370 = arith.maximumf %select_n3A_345, %select_n3A_353 : vector<16x256xf32>
    %max3A_371 = arith.maximumf %select_n3A_361, %select_n3A_369 : vector<16x256xf32>
    %max3A_372 = arith.maximumf %max3A_370, %max3A_371 : vector<16x256xf32>
    %sub3A_373 = arith.subf %select_n3A_345, %max3A_372 : vector<16x256xf32>
    %exp3A_374 = math.exp %sub3A_373 : vector<16x256xf32>
    %sub3A_375 = arith.subf %select_n3A_353, %max3A_372 : vector<16x256xf32>
    %exp3A_376 = math.exp %sub3A_375 : vector<16x256xf32>
    %sub3A_377 = arith.subf %select_n3A_361, %max3A_372 : vector<16x256xf32>
    %exp3A_378 = math.exp %sub3A_377 : vector<16x256xf32>
    %sub3A_379 = arith.subf %select_n3A_369, %max3A_372 : vector<16x256xf32>
    %exp3A_380 = math.exp %sub3A_379 : vector<16x256xf32>
    %add3A_381 = arith.addf %exp3A_374, %exp3A_376 : vector<16x256xf32>
    %add3A_382 = arith.addf %add3A_381, %exp3A_378 : vector<16x256xf32>
    %add3A_383 = arith.addf %add3A_382, %exp3A_380 : vector<16x256xf32>
    %div3A_384 = arith.constant 1.000000e+00 : f32
    %div3A_385 = vector.broadcast %div3A_384 : f32 to vector<16x256xf32>
    %div3A_386 = arith.divf %div3A_385, %add3A_383 : vector<16x256xf32>
    %mul3A_387 = arith.mulf %exp3A_374, %div3A_386 : vector<16x256xf32>
    %mul3A_388 = arith.mulf %exp3A_376, %div3A_386 : vector<16x256xf32>
    %mul3A_389 = arith.mulf %exp3A_378, %div3A_386 : vector<16x256xf32>
    %mul3A_390 = arith.mulf %exp3A_380, %div3A_386 : vector<16x256xf32>
    %concatenate3A_391 = tpu.concatenate %mul3A_387, %mul3A_388, %mul3A_389, %mul3A_390 in 1 : vector<16x256xf32>, vector<16x256xf32>, vector<16x256xf32>, vector<16x256xf32> -> vector<16x1024xf32>
    %add3A_392 = arith.addf %slice3A_278, %slice3A_280 : vector<16x256xf32>
    %ge3A_393 = arith.constant 0.000000e+00 : f32
    %ge3A_394 = vector.broadcast %ge3A_393 : f32 to vector<16x256xf32>
    %ge3A_395 = arith.cmpf oge, %add3A_392, %ge3A_394 : vector<16x256xf32>
    %mul3A_396 = arith.constant 2.000000e-01 : f32
    %mul3A_397 = vector.broadcast %mul3A_396 : f32 to vector<16x256xf32>
    %mul3A_398 = arith.mulf %mul3A_397, %add3A_392 : vector<16x256xf32>
    %select_n3A_399 = arith.select %ge3A_395, %add3A_392, %mul3A_398 : vector<16x256xi1>, vector<16x256xf32>
    %add3A_400 = arith.addf %slice3A_278, %slice3A_281 : vector<16x256xf32>
    %ge3A_401 = arith.constant 0.000000e+00 : f32
    %ge3A_402 = vector.broadcast %ge3A_401 : f32 to vector<16x256xf32>
    %ge3A_403 = arith.cmpf oge, %add3A_400, %ge3A_402 : vector<16x256xf32>
    %mul3A_404 = arith.constant 2.000000e-01 : f32
    %mul3A_405 = vector.broadcast %mul3A_404 : f32 to vector<16x256xf32>
    %mul3A_406 = arith.mulf %mul3A_405, %add3A_400 : vector<16x256xf32>
    %select_n3A_407 = arith.select %ge3A_403, %add3A_400, %mul3A_406 : vector<16x256xi1>, vector<16x256xf32>
    %add3A_408 = arith.addf %slice3A_278, %slice3A_282 : vector<16x256xf32>
    %ge3A_409 = arith.constant 0.000000e+00 : f32
    %ge3A_410 = vector.broadcast %ge3A_409 : f32 to vector<16x256xf32>
    %ge3A_411 = arith.cmpf oge, %add3A_408, %ge3A_410 : vector<16x256xf32>
    %mul3A_412 = arith.constant 2.000000e-01 : f32
    %mul3A_413 = vector.broadcast %mul3A_412 : f32 to vector<16x256xf32>
    %mul3A_414 = arith.mulf %mul3A_413, %add3A_408 : vector<16x256xf32>
    %select_n3A_415 = arith.select %ge3A_411, %add3A_408, %mul3A_414 : vector<16x256xi1>, vector<16x256xf32>
    %add3A_416 = arith.addf %slice3A_278, %slice3A_283 : vector<16x256xf32>
    %ge3A_417 = arith.constant 0.000000e+00 : f32
    %ge3A_418 = vector.broadcast %ge3A_417 : f32 to vector<16x256xf32>
    %ge3A_419 = arith.cmpf oge, %add3A_416, %ge3A_418 : vector<16x256xf32>
    %mul3A_420 = arith.constant 2.000000e-01 : f32
    %mul3A_421 = vector.broadcast %mul3A_420 : f32 to vector<16x256xf32>
    %mul3A_422 = arith.mulf %mul3A_421, %add3A_416 : vector<16x256xf32>
    %select_n3A_423 = arith.select %ge3A_419, %add3A_416, %mul3A_422 : vector<16x256xi1>, vector<16x256xf32>
    %max3A_424 = arith.maximumf %select_n3A_399, %select_n3A_407 : vector<16x256xf32>
    %max3A_425 = arith.maximumf %select_n3A_415, %select_n3A_423 : vector<16x256xf32>
    %max3A_426 = arith.maximumf %max3A_424, %max3A_425 : vector<16x256xf32>
    %sub3A_427 = arith.subf %select_n3A_399, %max3A_426 : vector<16x256xf32>
    %exp3A_428 = math.exp %sub3A_427 : vector<16x256xf32>
    %sub3A_429 = arith.subf %select_n3A_407, %max3A_426 : vector<16x256xf32>
    %exp3A_430 = math.exp %sub3A_429 : vector<16x256xf32>
    %sub3A_431 = arith.subf %select_n3A_415, %max3A_426 : vector<16x256xf32>
    %exp3A_432 = math.exp %sub3A_431 : vector<16x256xf32>
    %sub3A_433 = arith.subf %select_n3A_423, %max3A_426 : vector<16x256xf32>
    %exp3A_434 = math.exp %sub3A_433 : vector<16x256xf32>
    %add3A_435 = arith.addf %exp3A_428, %exp3A_430 : vector<16x256xf32>
    %add3A_436 = arith.addf %add3A_435, %exp3A_432 : vector<16x256xf32>
    %add3A_437 = arith.addf %add3A_436, %exp3A_434 : vector<16x256xf32>
    %div3A_438 = arith.constant 1.000000e+00 : f32
    %div3A_439 = vector.broadcast %div3A_438 : f32 to vector<16x256xf32>
    %div3A_440 = arith.divf %div3A_439, %add3A_437 : vector<16x256xf32>
    %mul3A_441 = arith.mulf %exp3A_428, %div3A_440 : vector<16x256xf32>
    %mul3A_442 = arith.mulf %exp3A_430, %div3A_440 : vector<16x256xf32>
    %mul3A_443 = arith.mulf %exp3A_432, %div3A_440 : vector<16x256xf32>
    %mul3A_444 = arith.mulf %exp3A_434, %div3A_440 : vector<16x256xf32>
    %concatenate3A_445 = tpu.concatenate %mul3A_441, %mul3A_442, %mul3A_443, %mul3A_444 in 1 : vector<16x256xf32>, vector<16x256xf32>, vector<16x256xf32>, vector<16x256xf32> -> vector<16x1024xf32>
    %add3A_446 = arith.addf %slice3A_279, %slice3A_280 : vector<16x256xf32>
    %ge3A_447 = arith.constant 0.000000e+00 : f32
    %ge3A_448 = vector.broadcast %ge3A_447 : f32 to vector<16x256xf32>
    %ge3A_449 = arith.cmpf oge, %add3A_446, %ge3A_448 : vector<16x256xf32>
    %mul3A_450 = arith.constant 2.000000e-01 : f32
    %mul3A_451 = vector.broadcast %mul3A_450 : f32 to vector<16x256xf32>
    %mul3A_452 = arith.mulf %mul3A_451, %add3A_446 : vector<16x256xf32>
    %select_n3A_453 = arith.select %ge3A_449, %add3A_446, %mul3A_452 : vector<16x256xi1>, vector<16x256xf32>
    %add3A_454 = arith.addf %slice3A_279, %slice3A_281 : vector<16x256xf32>
    %ge3A_455 = arith.constant 0.000000e+00 : f32
    %ge3A_456 = vector.broadcast %ge3A_455 : f32 to vector<16x256xf32>
    %ge3A_457 = arith.cmpf oge, %add3A_454, %ge3A_456 : vector<16x256xf32>
    %mul3A_458 = arith.constant 2.000000e-01 : f32
    %mul3A_459 = vector.broadcast %mul3A_458 : f32 to vector<16x256xf32>
    %mul3A_460 = arith.mulf %mul3A_459, %add3A_454 : vector<16x256xf32>
    %select_n3A_461 = arith.select %ge3A_457, %add3A_454, %mul3A_460 : vector<16x256xi1>, vector<16x256xf32>
    %add3A_462 = arith.addf %slice3A_279, %slice3A_282 : vector<16x256xf32>
    %ge3A_463 = arith.constant 0.000000e+00 : f32
    %ge3A_464 = vector.broadcast %ge3A_463 : f32 to vector<16x256xf32>
    %ge3A_465 = arith.cmpf oge, %add3A_462, %ge3A_464 : vector<16x256xf32>
    %mul3A_466 = arith.constant 2.000000e-01 : f32
    %mul3A_467 = vector.broadcast %mul3A_466 : f32 to vector<16x256xf32>
    %mul3A_468 = arith.mulf %mul3A_467, %add3A_462 : vector<16x256xf32>
    %select_n3A_469 = arith.select %ge3A_465, %add3A_462, %mul3A_468 : vector<16x256xi1>, vector<16x256xf32>
    %add3A_470 = arith.addf %slice3A_279, %slice3A_283 : vector<16x256xf32>
    %ge3A_471 = arith.constant 0.000000e+00 : f32
    %ge3A_472 = vector.broadcast %ge3A_471 : f32 to vector<16x256xf32>
    %ge3A_473 = arith.cmpf oge, %add3A_470, %ge3A_472 : vector<16x256xf32>
    %mul3A_474 = arith.constant 2.000000e-01 : f32
    %mul3A_475 = vector.broadcast %mul3A_474 : f32 to vector<16x256xf32>
    %mul3A_476 = arith.mulf %mul3A_475, %add3A_470 : vector<16x256xf32>
    %select_n3A_477 = arith.select %ge3A_473, %add3A_470, %mul3A_476 : vector<16x256xi1>, vector<16x256xf32>
    %max3A_478 = arith.maximumf %select_n3A_453, %select_n3A_461 : vector<16x256xf32>
    %max3A_479 = arith.maximumf %select_n3A_469, %select_n3A_477 : vector<16x256xf32>
    %max3A_480 = arith.maximumf %max3A_478, %max3A_479 : vector<16x256xf32>
    %sub3A_481 = arith.subf %select_n3A_453, %max3A_480 : vector<16x256xf32>
    %exp3A_482 = math.exp %sub3A_481 : vector<16x256xf32>
    %sub3A_483 = arith.subf %select_n3A_461, %max3A_480 : vector<16x256xf32>
    %exp3A_484 = math.exp %sub3A_483 : vector<16x256xf32>
    %sub3A_485 = arith.subf %select_n3A_469, %max3A_480 : vector<16x256xf32>
    %exp3A_486 = math.exp %sub3A_485 : vector<16x256xf32>
    %sub3A_487 = arith.subf %select_n3A_477, %max3A_480 : vector<16x256xf32>
    %exp3A_488 = math.exp %sub3A_487 : vector<16x256xf32>
    %add3A_489 = arith.addf %exp3A_482, %exp3A_484 : vector<16x256xf32>
    %add3A_490 = arith.addf %add3A_489, %exp3A_486 : vector<16x256xf32>
    %add3A_491 = arith.addf %add3A_490, %exp3A_488 : vector<16x256xf32>
    %div3A_492 = arith.constant 1.000000e+00 : f32
    %div3A_493 = vector.broadcast %div3A_492 : f32 to vector<16x256xf32>
    %div3A_494 = arith.divf %div3A_493, %add3A_491 : vector<16x256xf32>
    %mul3A_495 = arith.mulf %exp3A_482, %div3A_494 : vector<16x256xf32>
    %mul3A_496 = arith.mulf %exp3A_484, %div3A_494 : vector<16x256xf32>
    %mul3A_497 = arith.mulf %exp3A_486, %div3A_494 : vector<16x256xf32>
    %mul3A_498 = arith.mulf %exp3A_488, %div3A_494 : vector<16x256xf32>
    %concatenate3A_499 = tpu.concatenate %mul3A_495, %mul3A_496, %mul3A_497, %mul3A_498 in 1 : vector<16x256xf32>, vector<16x256xf32>, vector<16x256xf32>, vector<16x256xf32> -> vector<16x1024xf32>
    %concatenate3A_500 = tpu.concatenate %concatenate3A_337, %concatenate3A_391, %concatenate3A_445, %concatenate3A_499 in 1 : vector<16x1024xf32>, vector<16x1024xf32>, vector<16x1024xf32>, vector<16x1024xf32> -> vector<16x4096xf32>
    %dot_general3A_501 = arith.constant dense<0.000000e+00> : vector<256x4096xf32>
    %dot_general3A_502 = tpu.matmul %get3A_21, %concatenate3A_500, %dot_general3A_501 {dimension_numbers = #tpu.dot_dimension_numbers<[1], [0], [0], [1], [0, 0, 1, 1], [], []>, transpose_lhs_hint = false} : vector<256x16xf32>, vector<16x4096xf32>, vector<256x4096xf32> -> vector<256x4096xf32>
    %slice3A_503 = vector.extract_strided_slice %dot_general3A_8 {offsets = [0, 1024], sizes = [256, 1024], strides = [1, 1]} : vector<256x6144xf32> to vector<256x1024xf32>
    %slice3A_504 = vector.extract_strided_slice %dot_general3A_502 {offsets = [0, 0], sizes = [256, 1024], strides = [1, 1]} : vector<256x4096xf32> to vector<256x1024xf32>
    %mul3A_505 = arith.mulf %slice3A_504, %slice3A_503 : vector<256x1024xf32>
    %slice3A_506 = vector.extract_strided_slice %mul3A_505 {offsets = [0, 0], sizes = [256, 256], strides = [1, 1]} : vector<256x1024xf32> to vector<256x256xf32>
    %slice3A_507 = vector.extract_strided_slice %mul3A_505 {offsets = [0, 256], sizes = [256, 256], strides = [1, 1]} : vector<256x1024xf32> to vector<256x256xf32>
    %add3A_508 = arith.addf %slice3A_506, %slice3A_507 : vector<256x256xf32>
    %slice3A_509 = vector.extract_strided_slice %mul3A_505 {offsets = [0, 512], sizes = [256, 256], strides = [1, 1]} : vector<256x1024xf32> to vector<256x256xf32>
    %add3A_510 = arith.addf %add3A_508, %slice3A_509 : vector<256x256xf32>
    %slice3A_511 = vector.extract_strided_slice %mul3A_505 {offsets = [0, 768], sizes = [256, 256], strides = [1, 1]} : vector<256x1024xf32> to vector<256x256xf32>
    %add3A_512 = arith.addf %add3A_510, %slice3A_511 : vector<256x256xf32>
    %slice3A_513 = vector.extract_strided_slice %dot_general3A_502 {offsets = [0, 1024], sizes = [256, 1024], strides = [1, 1]} : vector<256x4096xf32> to vector<256x1024xf32>
    %mul3A_514 = arith.mulf %slice3A_513, %slice3A_503 : vector<256x1024xf32>
    %slice3A_515 = vector.extract_strided_slice %mul3A_514 {offsets = [0, 0], sizes = [256, 256], strides = [1, 1]} : vector<256x1024xf32> to vector<256x256xf32>
    %slice3A_516 = vector.extract_strided_slice %mul3A_514 {offsets = [0, 256], sizes = [256, 256], strides = [1, 1]} : vector<256x1024xf32> to vector<256x256xf32>
    %add3A_517 = arith.addf %slice3A_515, %slice3A_516 : vector<256x256xf32>
    %slice3A_518 = vector.extract_strided_slice %mul3A_514 {offsets = [0, 512], sizes = [256, 256], strides = [1, 1]} : vector<256x1024xf32> to vector<256x256xf32>
    %add3A_519 = arith.addf %add3A_517, %slice3A_518 : vector<256x256xf32>
    %slice3A_520 = vector.extract_strided_slice %mul3A_514 {offsets = [0, 768], sizes = [256, 256], strides = [1, 1]} : vector<256x1024xf32> to vector<256x256xf32>
    %add3A_521 = arith.addf %add3A_519, %slice3A_520 : vector<256x256xf32>
    %slice3A_522 = vector.extract_strided_slice %dot_general3A_502 {offsets = [0, 2048], sizes = [256, 1024], strides = [1, 1]} : vector<256x4096xf32> to vector<256x1024xf32>
    %mul3A_523 = arith.mulf %slice3A_522, %slice3A_503 : vector<256x1024xf32>
    %slice3A_524 = vector.extract_strided_slice %mul3A_523 {offsets = [0, 0], sizes = [256, 256], strides = [1, 1]} : vector<256x1024xf32> to vector<256x256xf32>
    %slice3A_525 = vector.extract_strided_slice %mul3A_523 {offsets = [0, 256], sizes = [256, 256], strides = [1, 1]} : vector<256x1024xf32> to vector<256x256xf32>
    %add3A_526 = arith.addf %slice3A_524, %slice3A_525 : vector<256x256xf32>
    %slice3A_527 = vector.extract_strided_slice %mul3A_523 {offsets = [0, 512], sizes = [256, 256], strides = [1, 1]} : vector<256x1024xf32> to vector<256x256xf32>
    %add3A_528 = arith.addf %add3A_526, %slice3A_527 : vector<256x256xf32>
    %slice3A_529 = vector.extract_strided_slice %mul3A_523 {offsets = [0, 768], sizes = [256, 256], strides = [1, 1]} : vector<256x1024xf32> to vector<256x256xf32>
    %add3A_530 = arith.addf %add3A_528, %slice3A_529 : vector<256x256xf32>
    %slice3A_531 = vector.extract_strided_slice %dot_general3A_502 {offsets = [0, 3072], sizes = [256, 1024], strides = [1, 1]} : vector<256x4096xf32> to vector<256x1024xf32>
    %mul3A_532 = arith.mulf %slice3A_531, %slice3A_503 : vector<256x1024xf32>
    %slice3A_533 = vector.extract_strided_slice %mul3A_532 {offsets = [0, 0], sizes = [256, 256], strides = [1, 1]} : vector<256x1024xf32> to vector<256x256xf32>
    %slice3A_534 = vector.extract_strided_slice %mul3A_532 {offsets = [0, 256], sizes = [256, 256], strides = [1, 1]} : vector<256x1024xf32> to vector<256x256xf32>
    %add3A_535 = arith.addf %slice3A_533, %slice3A_534 : vector<256x256xf32>
    %slice3A_536 = vector.extract_strided_slice %mul3A_532 {offsets = [0, 512], sizes = [256, 256], strides = [1, 1]} : vector<256x1024xf32> to vector<256x256xf32>
    %add3A_537 = arith.addf %add3A_535, %slice3A_536 : vector<256x256xf32>
    %slice3A_538 = vector.extract_strided_slice %mul3A_532 {offsets = [0, 768], sizes = [256, 256], strides = [1, 1]} : vector<256x1024xf32> to vector<256x256xf32>
    %add3A_539 = arith.addf %add3A_537, %slice3A_538 : vector<256x256xf32>
    %slice3A_540 = vector.extract_strided_slice %dot_general3A_13 {offsets = [0, 2048], sizes = [16, 256], strides = [1, 1]} : vector<16x6144xf32> to vector<16x256xf32>
    %slice3A_541 = vector.extract_strided_slice %dot_general3A_13 {offsets = [0, 2304], sizes = [16, 256], strides = [1, 1]} : vector<16x6144xf32> to vector<16x256xf32>
    %slice3A_542 = vector.extract_strided_slice %dot_general3A_13 {offsets = [0, 2560], sizes = [16, 256], strides = [1, 1]} : vector<16x6144xf32> to vector<16x256xf32>
    %slice3A_543 = vector.extract_strided_slice %dot_general3A_13 {offsets = [0, 2816], sizes = [16, 256], strides = [1, 1]} : vector<16x6144xf32> to vector<16x256xf32>
    %slice3A_544 = vector.extract_strided_slice %dot_general3A_18 {offsets = [0, 2048], sizes = [16, 256], strides = [1, 1]} : vector<16x6144xf32> to vector<16x256xf32>
    %slice3A_545 = vector.extract_strided_slice %dot_general3A_18 {offsets = [0, 2304], sizes = [16, 256], strides = [1, 1]} : vector<16x6144xf32> to vector<16x256xf32>
    %slice3A_546 = vector.extract_strided_slice %dot_general3A_18 {offsets = [0, 2560], sizes = [16, 256], strides = [1, 1]} : vector<16x6144xf32> to vector<16x256xf32>
    %slice3A_547 = vector.extract_strided_slice %dot_general3A_18 {offsets = [0, 2816], sizes = [16, 256], strides = [1, 1]} : vector<16x6144xf32> to vector<16x256xf32>
    %add3A_548 = arith.addf %slice3A_540, %slice3A_544 : vector<16x256xf32>
    %ge3A_549 = arith.constant 0.000000e+00 : f32
    %ge3A_550 = vector.broadcast %ge3A_549 : f32 to vector<16x256xf32>
    %ge3A_551 = arith.cmpf oge, %add3A_548, %ge3A_550 : vector<16x256xf32>
    %mul3A_552 = arith.constant 2.000000e-01 : f32
    %mul3A_553 = vector.broadcast %mul3A_552 : f32 to vector<16x256xf32>
    %mul3A_554 = arith.mulf %mul3A_553, %add3A_548 : vector<16x256xf32>
    %select_n3A_555 = arith.select %ge3A_551, %add3A_548, %mul3A_554 : vector<16x256xi1>, vector<16x256xf32>
    %add3A_556 = arith.addf %slice3A_540, %slice3A_545 : vector<16x256xf32>
    %ge3A_557 = arith.constant 0.000000e+00 : f32
    %ge3A_558 = vector.broadcast %ge3A_557 : f32 to vector<16x256xf32>
    %ge3A_559 = arith.cmpf oge, %add3A_556, %ge3A_558 : vector<16x256xf32>
    %mul3A_560 = arith.constant 2.000000e-01 : f32
    %mul3A_561 = vector.broadcast %mul3A_560 : f32 to vector<16x256xf32>
    %mul3A_562 = arith.mulf %mul3A_561, %add3A_556 : vector<16x256xf32>
    %select_n3A_563 = arith.select %ge3A_559, %add3A_556, %mul3A_562 : vector<16x256xi1>, vector<16x256xf32>
    %add3A_564 = arith.addf %slice3A_540, %slice3A_546 : vector<16x256xf32>
    %ge3A_565 = arith.constant 0.000000e+00 : f32
    %ge3A_566 = vector.broadcast %ge3A_565 : f32 to vector<16x256xf32>
    %ge3A_567 = arith.cmpf oge, %add3A_564, %ge3A_566 : vector<16x256xf32>
    %mul3A_568 = arith.constant 2.000000e-01 : f32
    %mul3A_569 = vector.broadcast %mul3A_568 : f32 to vector<16x256xf32>
    %mul3A_570 = arith.mulf %mul3A_569, %add3A_564 : vector<16x256xf32>
    %select_n3A_571 = arith.select %ge3A_567, %add3A_564, %mul3A_570 : vector<16x256xi1>, vector<16x256xf32>
    %add3A_572 = arith.addf %slice3A_540, %slice3A_547 : vector<16x256xf32>
    %ge3A_573 = arith.constant 0.000000e+00 : f32
    %ge3A_574 = vector.broadcast %ge3A_573 : f32 to vector<16x256xf32>
    %ge3A_575 = arith.cmpf oge, %add3A_572, %ge3A_574 : vector<16x256xf32>
    %mul3A_576 = arith.constant 2.000000e-01 : f32
    %mul3A_577 = vector.broadcast %mul3A_576 : f32 to vector<16x256xf32>
    %mul3A_578 = arith.mulf %mul3A_577, %add3A_572 : vector<16x256xf32>
    %select_n3A_579 = arith.select %ge3A_575, %add3A_572, %mul3A_578 : vector<16x256xi1>, vector<16x256xf32>
    %max3A_580 = arith.maximumf %select_n3A_555, %select_n3A_563 : vector<16x256xf32>
    %max3A_581 = arith.maximumf %select_n3A_571, %select_n3A_579 : vector<16x256xf32>
    %max3A_582 = arith.maximumf %max3A_580, %max3A_581 : vector<16x256xf32>
    %sub3A_583 = arith.subf %select_n3A_555, %max3A_582 : vector<16x256xf32>
    %exp3A_584 = math.exp %sub3A_583 : vector<16x256xf32>
    %sub3A_585 = arith.subf %select_n3A_563, %max3A_582 : vector<16x256xf32>
    %exp3A_586 = math.exp %sub3A_585 : vector<16x256xf32>
    %sub3A_587 = arith.subf %select_n3A_571, %max3A_582 : vector<16x256xf32>
    %exp3A_588 = math.exp %sub3A_587 : vector<16x256xf32>
    %sub3A_589 = arith.subf %select_n3A_579, %max3A_582 : vector<16x256xf32>
    %exp3A_590 = math.exp %sub3A_589 : vector<16x256xf32>
    %add3A_591 = arith.addf %exp3A_584, %exp3A_586 : vector<16x256xf32>
    %add3A_592 = arith.addf %add3A_591, %exp3A_588 : vector<16x256xf32>
    %add3A_593 = arith.addf %add3A_592, %exp3A_590 : vector<16x256xf32>
    %div3A_594 = arith.constant 1.000000e+00 : f32
    %div3A_595 = vector.broadcast %div3A_594 : f32 to vector<16x256xf32>
    %div3A_596 = arith.divf %div3A_595, %add3A_593 : vector<16x256xf32>
    %mul3A_597 = arith.mulf %exp3A_584, %div3A_596 : vector<16x256xf32>
    %mul3A_598 = arith.mulf %exp3A_586, %div3A_596 : vector<16x256xf32>
    %mul3A_599 = arith.mulf %exp3A_588, %div3A_596 : vector<16x256xf32>
    %mul3A_600 = arith.mulf %exp3A_590, %div3A_596 : vector<16x256xf32>
    %concatenate3A_601 = tpu.concatenate %mul3A_597, %mul3A_598, %mul3A_599, %mul3A_600 in 1 : vector<16x256xf32>, vector<16x256xf32>, vector<16x256xf32>, vector<16x256xf32> -> vector<16x1024xf32>
    %add3A_602 = arith.addf %slice3A_541, %slice3A_544 : vector<16x256xf32>
    %ge3A_603 = arith.constant 0.000000e+00 : f32
    %ge3A_604 = vector.broadcast %ge3A_603 : f32 to vector<16x256xf32>
    %ge3A_605 = arith.cmpf oge, %add3A_602, %ge3A_604 : vector<16x256xf32>
    %mul3A_606 = arith.constant 2.000000e-01 : f32
    %mul3A_607 = vector.broadcast %mul3A_606 : f32 to vector<16x256xf32>
    %mul3A_608 = arith.mulf %mul3A_607, %add3A_602 : vector<16x256xf32>
    %select_n3A_609 = arith.select %ge3A_605, %add3A_602, %mul3A_608 : vector<16x256xi1>, vector<16x256xf32>
    %add3A_610 = arith.addf %slice3A_541, %slice3A_545 : vector<16x256xf32>
    %ge3A_611 = arith.constant 0.000000e+00 : f32
    %ge3A_612 = vector.broadcast %ge3A_611 : f32 to vector<16x256xf32>
    %ge3A_613 = arith.cmpf oge, %add3A_610, %ge3A_612 : vector<16x256xf32>
    %mul3A_614 = arith.constant 2.000000e-01 : f32
    %mul3A_615 = vector.broadcast %mul3A_614 : f32 to vector<16x256xf32>
    %mul3A_616 = arith.mulf %mul3A_615, %add3A_610 : vector<16x256xf32>
    %select_n3A_617 = arith.select %ge3A_613, %add3A_610, %mul3A_616 : vector<16x256xi1>, vector<16x256xf32>
    %add3A_618 = arith.addf %slice3A_541, %slice3A_546 : vector<16x256xf32>
    %ge3A_619 = arith.constant 0.000000e+00 : f32
    %ge3A_620 = vector.broadcast %ge3A_619 : f32 to vector<16x256xf32>
    %ge3A_621 = arith.cmpf oge, %add3A_618, %ge3A_620 : vector<16x256xf32>
    %mul3A_622 = arith.constant 2.000000e-01 : f32
    %mul3A_623 = vector.broadcast %mul3A_622 : f32 to vector<16x256xf32>
    %mul3A_624 = arith.mulf %mul3A_623, %add3A_618 : vector<16x256xf32>
    %select_n3A_625 = arith.select %ge3A_621, %add3A_618, %mul3A_624 : vector<16x256xi1>, vector<16x256xf32>
    %add3A_626 = arith.addf %slice3A_541, %slice3A_547 : vector<16x256xf32>
    %ge3A_627 = arith.constant 0.000000e+00 : f32
    %ge3A_628 = vector.broadcast %ge3A_627 : f32 to vector<16x256xf32>
    %ge3A_629 = arith.cmpf oge, %add3A_626, %ge3A_628 : vector<16x256xf32>
    %mul3A_630 = arith.constant 2.000000e-01 : f32
    %mul3A_631 = vector.broadcast %mul3A_630 : f32 to vector<16x256xf32>
    %mul3A_632 = arith.mulf %mul3A_631, %add3A_626 : vector<16x256xf32>
    %select_n3A_633 = arith.select %ge3A_629, %add3A_626, %mul3A_632 : vector<16x256xi1>, vector<16x256xf32>
    %max3A_634 = arith.maximumf %select_n3A_609, %select_n3A_617 : vector<16x256xf32>
    %max3A_635 = arith.maximumf %select_n3A_625, %select_n3A_633 : vector<16x256xf32>
    %max3A_636 = arith.maximumf %max3A_634, %max3A_635 : vector<16x256xf32>
    %sub3A_637 = arith.subf %select_n3A_609, %max3A_636 : vector<16x256xf32>
    %exp3A_638 = math.exp %sub3A_637 : vector<16x256xf32>
    %sub3A_639 = arith.subf %select_n3A_617, %max3A_636 : vector<16x256xf32>
    %exp3A_640 = math.exp %sub3A_639 : vector<16x256xf32>
    %sub3A_641 = arith.subf %select_n3A_625, %max3A_636 : vector<16x256xf32>
    %exp3A_642 = math.exp %sub3A_641 : vector<16x256xf32>
    %sub3A_643 = arith.subf %select_n3A_633, %max3A_636 : vector<16x256xf32>
    %exp3A_644 = math.exp %sub3A_643 : vector<16x256xf32>
    %add3A_645 = arith.addf %exp3A_638, %exp3A_640 : vector<16x256xf32>
    %add3A_646 = arith.addf %add3A_645, %exp3A_642 : vector<16x256xf32>
    %add3A_647 = arith.addf %add3A_646, %exp3A_644 : vector<16x256xf32>
    %div3A_648 = arith.constant 1.000000e+00 : f32
    %div3A_649 = vector.broadcast %div3A_648 : f32 to vector<16x256xf32>
    %div3A_650 = arith.divf %div3A_649, %add3A_647 : vector<16x256xf32>
    %mul3A_651 = arith.mulf %exp3A_638, %div3A_650 : vector<16x256xf32>
    %mul3A_652 = arith.mulf %exp3A_640, %div3A_650 : vector<16x256xf32>
    %mul3A_653 = arith.mulf %exp3A_642, %div3A_650 : vector<16x256xf32>
    %mul3A_654 = arith.mulf %exp3A_644, %div3A_650 : vector<16x256xf32>
    %concatenate3A_655 = tpu.concatenate %mul3A_651, %mul3A_652, %mul3A_653, %mul3A_654 in 1 : vector<16x256xf32>, vector<16x256xf32>, vector<16x256xf32>, vector<16x256xf32> -> vector<16x1024xf32>
    %add3A_656 = arith.addf %slice3A_542, %slice3A_544 : vector<16x256xf32>
    %ge3A_657 = arith.constant 0.000000e+00 : f32
    %ge3A_658 = vector.broadcast %ge3A_657 : f32 to vector<16x256xf32>
    %ge3A_659 = arith.cmpf oge, %add3A_656, %ge3A_658 : vector<16x256xf32>
    %mul3A_660 = arith.constant 2.000000e-01 : f32
    %mul3A_661 = vector.broadcast %mul3A_660 : f32 to vector<16x256xf32>
    %mul3A_662 = arith.mulf %mul3A_661, %add3A_656 : vector<16x256xf32>
    %select_n3A_663 = arith.select %ge3A_659, %add3A_656, %mul3A_662 : vector<16x256xi1>, vector<16x256xf32>
    %add3A_664 = arith.addf %slice3A_542, %slice3A_545 : vector<16x256xf32>
    %ge3A_665 = arith.constant 0.000000e+00 : f32
    %ge3A_666 = vector.broadcast %ge3A_665 : f32 to vector<16x256xf32>
    %ge3A_667 = arith.cmpf oge, %add3A_664, %ge3A_666 : vector<16x256xf32>
    %mul3A_668 = arith.constant 2.000000e-01 : f32
    %mul3A_669 = vector.broadcast %mul3A_668 : f32 to vector<16x256xf32>
    %mul3A_670 = arith.mulf %mul3A_669, %add3A_664 : vector<16x256xf32>
    %select_n3A_671 = arith.select %ge3A_667, %add3A_664, %mul3A_670 : vector<16x256xi1>, vector<16x256xf32>
    %add3A_672 = arith.addf %slice3A_542, %slice3A_546 : vector<16x256xf32>
    %ge3A_673 = arith.constant 0.000000e+00 : f32
    %ge3A_674 = vector.broadcast %ge3A_673 : f32 to vector<16x256xf32>
    %ge3A_675 = arith.cmpf oge, %add3A_672, %ge3A_674 : vector<16x256xf32>
    %mul3A_676 = arith.constant 2.000000e-01 : f32
    %mul3A_677 = vector.broadcast %mul3A_676 : f32 to vector<16x256xf32>
    %mul3A_678 = arith.mulf %mul3A_677, %add3A_672 : vector<16x256xf32>
    %select_n3A_679 = arith.select %ge3A_675, %add3A_672, %mul3A_678 : vector<16x256xi1>, vector<16x256xf32>
    %add3A_680 = arith.addf %slice3A_542, %slice3A_547 : vector<16x256xf32>
    %ge3A_681 = arith.constant 0.000000e+00 : f32
    %ge3A_682 = vector.broadcast %ge3A_681 : f32 to vector<16x256xf32>
    %ge3A_683 = arith.cmpf oge, %add3A_680, %ge3A_682 : vector<16x256xf32>
    %mul3A_684 = arith.constant 2.000000e-01 : f32
    %mul3A_685 = vector.broadcast %mul3A_684 : f32 to vector<16x256xf32>
    %mul3A_686 = arith.mulf %mul3A_685, %add3A_680 : vector<16x256xf32>
    %select_n3A_687 = arith.select %ge3A_683, %add3A_680, %mul3A_686 : vector<16x256xi1>, vector<16x256xf32>
    %max3A_688 = arith.maximumf %select_n3A_663, %select_n3A_671 : vector<16x256xf32>
    %max3A_689 = arith.maximumf %select_n3A_679, %select_n3A_687 : vector<16x256xf32>
    %max3A_690 = arith.maximumf %max3A_688, %max3A_689 : vector<16x256xf32>
    %sub3A_691 = arith.subf %select_n3A_663, %max3A_690 : vector<16x256xf32>
    %exp3A_692 = math.exp %sub3A_691 : vector<16x256xf32>
    %sub3A_693 = arith.subf %select_n3A_671, %max3A_690 : vector<16x256xf32>
    %exp3A_694 = math.exp %sub3A_693 : vector<16x256xf32>
    %sub3A_695 = arith.subf %select_n3A_679, %max3A_690 : vector<16x256xf32>
    %exp3A_696 = math.exp %sub3A_695 : vector<16x256xf32>
    %sub3A_697 = arith.subf %select_n3A_687, %max3A_690 : vector<16x256xf32>
    %exp3A_698 = math.exp %sub3A_697 : vector<16x256xf32>
    %add3A_699 = arith.addf %exp3A_692, %exp3A_694 : vector<16x256xf32>
    %add3A_700 = arith.addf %add3A_699, %exp3A_696 : vector<16x256xf32>
    %add3A_701 = arith.addf %add3A_700, %exp3A_698 : vector<16x256xf32>
    %div3A_702 = arith.constant 1.000000e+00 : f32
    %div3A_703 = vector.broadcast %div3A_702 : f32 to vector<16x256xf32>
    %div3A_704 = arith.divf %div3A_703, %add3A_701 : vector<16x256xf32>
    %mul3A_705 = arith.mulf %exp3A_692, %div3A_704 : vector<16x256xf32>
    %mul3A_706 = arith.mulf %exp3A_694, %div3A_704 : vector<16x256xf32>
    %mul3A_707 = arith.mulf %exp3A_696, %div3A_704 : vector<16x256xf32>
    %mul3A_708 = arith.mulf %exp3A_698, %div3A_704 : vector<16x256xf32>
    %concatenate3A_709 = tpu.concatenate %mul3A_705, %mul3A_706, %mul3A_707, %mul3A_708 in 1 : vector<16x256xf32>, vector<16x256xf32>, vector<16x256xf32>, vector<16x256xf32> -> vector<16x1024xf32>
    %add3A_710 = arith.addf %slice3A_543, %slice3A_544 : vector<16x256xf32>
    %ge3A_711 = arith.constant 0.000000e+00 : f32
    %ge3A_712 = vector.broadcast %ge3A_711 : f32 to vector<16x256xf32>
    %ge3A_713 = arith.cmpf oge, %add3A_710, %ge3A_712 : vector<16x256xf32>
    %mul3A_714 = arith.constant 2.000000e-01 : f32
    %mul3A_715 = vector.broadcast %mul3A_714 : f32 to vector<16x256xf32>
    %mul3A_716 = arith.mulf %mul3A_715, %add3A_710 : vector<16x256xf32>
    %select_n3A_717 = arith.select %ge3A_713, %add3A_710, %mul3A_716 : vector<16x256xi1>, vector<16x256xf32>
    %add3A_718 = arith.addf %slice3A_543, %slice3A_545 : vector<16x256xf32>
    %ge3A_719 = arith.constant 0.000000e+00 : f32
    %ge3A_720 = vector.broadcast %ge3A_719 : f32 to vector<16x256xf32>
    %ge3A_721 = arith.cmpf oge, %add3A_718, %ge3A_720 : vector<16x256xf32>
    %mul3A_722 = arith.constant 2.000000e-01 : f32
    %mul3A_723 = vector.broadcast %mul3A_722 : f32 to vector<16x256xf32>
    %mul3A_724 = arith.mulf %mul3A_723, %add3A_718 : vector<16x256xf32>
    %select_n3A_725 = arith.select %ge3A_721, %add3A_718, %mul3A_724 : vector<16x256xi1>, vector<16x256xf32>
    %add3A_726 = arith.addf %slice3A_543, %slice3A_546 : vector<16x256xf32>
    %ge3A_727 = arith.constant 0.000000e+00 : f32
    %ge3A_728 = vector.broadcast %ge3A_727 : f32 to vector<16x256xf32>
    %ge3A_729 = arith.cmpf oge, %add3A_726, %ge3A_728 : vector<16x256xf32>
    %mul3A_730 = arith.constant 2.000000e-01 : f32
    %mul3A_731 = vector.broadcast %mul3A_730 : f32 to vector<16x256xf32>
    %mul3A_732 = arith.mulf %mul3A_731, %add3A_726 : vector<16x256xf32>
    %select_n3A_733 = arith.select %ge3A_729, %add3A_726, %mul3A_732 : vector<16x256xi1>, vector<16x256xf32>
    %add3A_734 = arith.addf %slice3A_543, %slice3A_547 : vector<16x256xf32>
    %ge3A_735 = arith.constant 0.000000e+00 : f32
    %ge3A_736 = vector.broadcast %ge3A_735 : f32 to vector<16x256xf32>
    %ge3A_737 = arith.cmpf oge, %add3A_734, %ge3A_736 : vector<16x256xf32>
    %mul3A_738 = arith.constant 2.000000e-01 : f32
    %mul3A_739 = vector.broadcast %mul3A_738 : f32 to vector<16x256xf32>
    %mul3A_740 = arith.mulf %mul3A_739, %add3A_734 : vector<16x256xf32>
    %select_n3A_741 = arith.select %ge3A_737, %add3A_734, %mul3A_740 : vector<16x256xi1>, vector<16x256xf32>
    %max3A_742 = arith.maximumf %select_n3A_717, %select_n3A_725 : vector<16x256xf32>
    %max3A_743 = arith.maximumf %select_n3A_733, %select_n3A_741 : vector<16x256xf32>
    %max3A_744 = arith.maximumf %max3A_742, %max3A_743 : vector<16x256xf32>
    %sub3A_745 = arith.subf %select_n3A_717, %max3A_744 : vector<16x256xf32>
    %exp3A_746 = math.exp %sub3A_745 : vector<16x256xf32>
    %sub3A_747 = arith.subf %select_n3A_725, %max3A_744 : vector<16x256xf32>
    %exp3A_748 = math.exp %sub3A_747 : vector<16x256xf32>
    %sub3A_749 = arith.subf %select_n3A_733, %max3A_744 : vector<16x256xf32>
    %exp3A_750 = math.exp %sub3A_749 : vector<16x256xf32>
    %sub3A_751 = arith.subf %select_n3A_741, %max3A_744 : vector<16x256xf32>
    %exp3A_752 = math.exp %sub3A_751 : vector<16x256xf32>
    %add3A_753 = arith.addf %exp3A_746, %exp3A_748 : vector<16x256xf32>
    %add3A_754 = arith.addf %add3A_753, %exp3A_750 : vector<16x256xf32>
    %add3A_755 = arith.addf %add3A_754, %exp3A_752 : vector<16x256xf32>
    %div3A_756 = arith.constant 1.000000e+00 : f32
    %div3A_757 = vector.broadcast %div3A_756 : f32 to vector<16x256xf32>
    %div3A_758 = arith.divf %div3A_757, %add3A_755 : vector<16x256xf32>
    %mul3A_759 = arith.mulf %exp3A_746, %div3A_758 : vector<16x256xf32>
    %mul3A_760 = arith.mulf %exp3A_748, %div3A_758 : vector<16x256xf32>
    %mul3A_761 = arith.mulf %exp3A_750, %div3A_758 : vector<16x256xf32>
    %mul3A_762 = arith.mulf %exp3A_752, %div3A_758 : vector<16x256xf32>
    %concatenate3A_763 = tpu.concatenate %mul3A_759, %mul3A_760, %mul3A_761, %mul3A_762 in 1 : vector<16x256xf32>, vector<16x256xf32>, vector<16x256xf32>, vector<16x256xf32> -> vector<16x1024xf32>
    %concatenate3A_764 = tpu.concatenate %concatenate3A_601, %concatenate3A_655, %concatenate3A_709, %concatenate3A_763 in 1 : vector<16x1024xf32>, vector<16x1024xf32>, vector<16x1024xf32>, vector<16x1024xf32> -> vector<16x4096xf32>
    %dot_general3A_765 = arith.constant dense<0.000000e+00> : vector<256x4096xf32>
    %dot_general3A_766 = tpu.matmul %get3A_21, %concatenate3A_764, %dot_general3A_765 {dimension_numbers = #tpu.dot_dimension_numbers<[1], [0], [0], [1], [0, 0, 1, 1], [], []>, transpose_lhs_hint = false} : vector<256x16xf32>, vector<16x4096xf32>, vector<256x4096xf32> -> vector<256x4096xf32>
    %slice3A_767 = vector.extract_strided_slice %dot_general3A_8 {offsets = [0, 2048], sizes = [256, 1024], strides = [1, 1]} : vector<256x6144xf32> to vector<256x1024xf32>
    %slice3A_768 = vector.extract_strided_slice %dot_general3A_766 {offsets = [0, 0], sizes = [256, 1024], strides = [1, 1]} : vector<256x4096xf32> to vector<256x1024xf32>
    %mul3A_769 = arith.mulf %slice3A_768, %slice3A_767 : vector<256x1024xf32>
    %slice3A_770 = vector.extract_strided_slice %mul3A_769 {offsets = [0, 0], sizes = [256, 256], strides = [1, 1]} : vector<256x1024xf32> to vector<256x256xf32>
    %slice3A_771 = vector.extract_strided_slice %mul3A_769 {offsets = [0, 256], sizes = [256, 256], strides = [1, 1]} : vector<256x1024xf32> to vector<256x256xf32>
    %add3A_772 = arith.addf %slice3A_770, %slice3A_771 : vector<256x256xf32>
    %slice3A_773 = vector.extract_strided_slice %mul3A_769 {offsets = [0, 512], sizes = [256, 256], strides = [1, 1]} : vector<256x1024xf32> to vector<256x256xf32>
    %add3A_774 = arith.addf %add3A_772, %slice3A_773 : vector<256x256xf32>
    %slice3A_775 = vector.extract_strided_slice %mul3A_769 {offsets = [0, 768], sizes = [256, 256], strides = [1, 1]} : vector<256x1024xf32> to vector<256x256xf32>
    %add3A_776 = arith.addf %add3A_774, %slice3A_775 : vector<256x256xf32>
    %slice3A_777 = vector.extract_strided_slice %dot_general3A_766 {offsets = [0, 1024], sizes = [256, 1024], strides = [1, 1]} : vector<256x4096xf32> to vector<256x1024xf32>
    %mul3A_778 = arith.mulf %slice3A_777, %slice3A_767 : vector<256x1024xf32>
    %slice3A_779 = vector.extract_strided_slice %mul3A_778 {offsets = [0, 0], sizes = [256, 256], strides = [1, 1]} : vector<256x1024xf32> to vector<256x256xf32>
    %slice3A_780 = vector.extract_strided_slice %mul3A_778 {offsets = [0, 256], sizes = [256, 256], strides = [1, 1]} : vector<256x1024xf32> to vector<256x256xf32>
    %add3A_781 = arith.addf %slice3A_779, %slice3A_780 : vector<256x256xf32>
    %slice3A_782 = vector.extract_strided_slice %mul3A_778 {offsets = [0, 512], sizes = [256, 256], strides = [1, 1]} : vector<256x1024xf32> to vector<256x256xf32>
    %add3A_783 = arith.addf %add3A_781, %slice3A_782 : vector<256x256xf32>
    %slice3A_784 = vector.extract_strided_slice %mul3A_778 {offsets = [0, 768], sizes = [256, 256], strides = [1, 1]} : vector<256x1024xf32> to vector<256x256xf32>
    %add3A_785 = arith.addf %add3A_783, %slice3A_784 : vector<256x256xf32>
    %slice3A_786 = vector.extract_strided_slice %dot_general3A_766 {offsets = [0, 2048], sizes = [256, 1024], strides = [1, 1]} : vector<256x4096xf32> to vector<256x1024xf32>
    %mul3A_787 = arith.mulf %slice3A_786, %slice3A_767 : vector<256x1024xf32>
    %slice3A_788 = vector.extract_strided_slice %mul3A_787 {offsets = [0, 0], sizes = [256, 256], strides = [1, 1]} : vector<256x1024xf32> to vector<256x256xf32>
    %slice3A_789 = vector.extract_strided_slice %mul3A_787 {offsets = [0, 256], sizes = [256, 256], strides = [1, 1]} : vector<256x1024xf32> to vector<256x256xf32>
    %add3A_790 = arith.addf %slice3A_788, %slice3A_789 : vector<256x256xf32>
    %slice3A_791 = vector.extract_strided_slice %mul3A_787 {offsets = [0, 512], sizes = [256, 256], strides = [1, 1]} : vector<256x1024xf32> to vector<256x256xf32>
    %add3A_792 = arith.addf %add3A_790, %slice3A_791 : vector<256x256xf32>
    %slice3A_793 = vector.extract_strided_slice %mul3A_787 {offsets = [0, 768], sizes = [256, 256], strides = [1, 1]} : vector<256x1024xf32> to vector<256x256xf32>
    %add3A_794 = arith.addf %add3A_792, %slice3A_793 : vector<256x256xf32>
    %slice3A_795 = vector.extract_strided_slice %dot_general3A_766 {offsets = [0, 3072], sizes = [256, 1024], strides = [1, 1]} : vector<256x4096xf32> to vector<256x1024xf32>
    %mul3A_796 = arith.mulf %slice3A_795, %slice3A_767 : vector<256x1024xf32>
    %slice3A_797 = vector.extract_strided_slice %mul3A_796 {offsets = [0, 0], sizes = [256, 256], strides = [1, 1]} : vector<256x1024xf32> to vector<256x256xf32>
    %slice3A_798 = vector.extract_strided_slice %mul3A_796 {offsets = [0, 256], sizes = [256, 256], strides = [1, 1]} : vector<256x1024xf32> to vector<256x256xf32>
    %add3A_799 = arith.addf %slice3A_797, %slice3A_798 : vector<256x256xf32>
    %slice3A_800 = vector.extract_strided_slice %mul3A_796 {offsets = [0, 512], sizes = [256, 256], strides = [1, 1]} : vector<256x1024xf32> to vector<256x256xf32>
    %add3A_801 = arith.addf %add3A_799, %slice3A_800 : vector<256x256xf32>
    %slice3A_802 = vector.extract_strided_slice %mul3A_796 {offsets = [0, 768], sizes = [256, 256], strides = [1, 1]} : vector<256x1024xf32> to vector<256x256xf32>
    %add3A_803 = arith.addf %add3A_801, %slice3A_802 : vector<256x256xf32>
    %slice3A_804 = vector.extract_strided_slice %dot_general3A_13 {offsets = [0, 3072], sizes = [16, 256], strides = [1, 1]} : vector<16x6144xf32> to vector<16x256xf32>
    %slice3A_805 = vector.extract_strided_slice %dot_general3A_13 {offsets = [0, 3328], sizes = [16, 256], strides = [1, 1]} : vector<16x6144xf32> to vector<16x256xf32>
    %slice3A_806 = vector.extract_strided_slice %dot_general3A_13 {offsets = [0, 3584], sizes = [16, 256], strides = [1, 1]} : vector<16x6144xf32> to vector<16x256xf32>
    %slice3A_807 = vector.extract_strided_slice %dot_general3A_13 {offsets = [0, 3840], sizes = [16, 256], strides = [1, 1]} : vector<16x6144xf32> to vector<16x256xf32>
    %slice3A_808 = vector.extract_strided_slice %dot_general3A_18 {offsets = [0, 3072], sizes = [16, 256], strides = [1, 1]} : vector<16x6144xf32> to vector<16x256xf32>
    %slice3A_809 = vector.extract_strided_slice %dot_general3A_18 {offsets = [0, 3328], sizes = [16, 256], strides = [1, 1]} : vector<16x6144xf32> to vector<16x256xf32>
    %slice3A_810 = vector.extract_strided_slice %dot_general3A_18 {offsets = [0, 3584], sizes = [16, 256], strides = [1, 1]} : vector<16x6144xf32> to vector<16x256xf32>
    %slice3A_811 = vector.extract_strided_slice %dot_general3A_18 {offsets = [0, 3840], sizes = [16, 256], strides = [1, 1]} : vector<16x6144xf32> to vector<16x256xf32>
    %add3A_812 = arith.addf %slice3A_804, %slice3A_808 : vector<16x256xf32>
    %ge3A_813 = arith.constant 0.000000e+00 : f32
    %ge3A_814 = vector.broadcast %ge3A_813 : f32 to vector<16x256xf32>
    %ge3A_815 = arith.cmpf oge, %add3A_812, %ge3A_814 : vector<16x256xf32>
    %mul3A_816 = arith.constant 2.000000e-01 : f32
    %mul3A_817 = vector.broadcast %mul3A_816 : f32 to vector<16x256xf32>
    %mul3A_818 = arith.mulf %mul3A_817, %add3A_812 : vector<16x256xf32>
    %select_n3A_819 = arith.select %ge3A_815, %add3A_812, %mul3A_818 : vector<16x256xi1>, vector<16x256xf32>
    %add3A_820 = arith.addf %slice3A_804, %slice3A_809 : vector<16x256xf32>
    %ge3A_821 = arith.constant 0.000000e+00 : f32
    %ge3A_822 = vector.broadcast %ge3A_821 : f32 to vector<16x256xf32>
    %ge3A_823 = arith.cmpf oge, %add3A_820, %ge3A_822 : vector<16x256xf32>
    %mul3A_824 = arith.constant 2.000000e-01 : f32
    %mul3A_825 = vector.broadcast %mul3A_824 : f32 to vector<16x256xf32>
    %mul3A_826 = arith.mulf %mul3A_825, %add3A_820 : vector<16x256xf32>
    %select_n3A_827 = arith.select %ge3A_823, %add3A_820, %mul3A_826 : vector<16x256xi1>, vector<16x256xf32>
    %add3A_828 = arith.addf %slice3A_804, %slice3A_810 : vector<16x256xf32>
    %ge3A_829 = arith.constant 0.000000e+00 : f32
    %ge3A_830 = vector.broadcast %ge3A_829 : f32 to vector<16x256xf32>
    %ge3A_831 = arith.cmpf oge, %add3A_828, %ge3A_830 : vector<16x256xf32>
    %mul3A_832 = arith.constant 2.000000e-01 : f32
    %mul3A_833 = vector.broadcast %mul3A_832 : f32 to vector<16x256xf32>
    %mul3A_834 = arith.mulf %mul3A_833, %add3A_828 : vector<16x256xf32>
    %select_n3A_835 = arith.select %ge3A_831, %add3A_828, %mul3A_834 : vector<16x256xi1>, vector<16x256xf32>
    %add3A_836 = arith.addf %slice3A_804, %slice3A_811 : vector<16x256xf32>
    %ge3A_837 = arith.constant 0.000000e+00 : f32
    %ge3A_838 = vector.broadcast %ge3A_837 : f32 to vector<16x256xf32>
    %ge3A_839 = arith.cmpf oge, %add3A_836, %ge3A_838 : vector<16x256xf32>
    %mul3A_840 = arith.constant 2.000000e-01 : f32
    %mul3A_841 = vector.broadcast %mul3A_840 : f32 to vector<16x256xf32>
    %mul3A_842 = arith.mulf %mul3A_841, %add3A_836 : vector<16x256xf32>
    %select_n3A_843 = arith.select %ge3A_839, %add3A_836, %mul3A_842 : vector<16x256xi1>, vector<16x256xf32>
    %max3A_844 = arith.maximumf %select_n3A_819, %select_n3A_827 : vector<16x256xf32>
    %max3A_845 = arith.maximumf %select_n3A_835, %select_n3A_843 : vector<16x256xf32>
    %max3A_846 = arith.maximumf %max3A_844, %max3A_845 : vector<16x256xf32>
    %sub3A_847 = arith.subf %select_n3A_819, %max3A_846 : vector<16x256xf32>
    %exp3A_848 = math.exp %sub3A_847 : vector<16x256xf32>
    %sub3A_849 = arith.subf %select_n3A_827, %max3A_846 : vector<16x256xf32>
    %exp3A_850 = math.exp %sub3A_849 : vector<16x256xf32>
    %sub3A_851 = arith.subf %select_n3A_835, %max3A_846 : vector<16x256xf32>
    %exp3A_852 = math.exp %sub3A_851 : vector<16x256xf32>
    %sub3A_853 = arith.subf %select_n3A_843, %max3A_846 : vector<16x256xf32>
    %exp3A_854 = math.exp %sub3A_853 : vector<16x256xf32>
    %add3A_855 = arith.addf %exp3A_848, %exp3A_850 : vector<16x256xf32>
    %add3A_856 = arith.addf %add3A_855, %exp3A_852 : vector<16x256xf32>
    %add3A_857 = arith.addf %add3A_856, %exp3A_854 : vector<16x256xf32>
    %div3A_858 = arith.constant 1.000000e+00 : f32
    %div3A_859 = vector.broadcast %div3A_858 : f32 to vector<16x256xf32>
    %div3A_860 = arith.divf %div3A_859, %add3A_857 : vector<16x256xf32>
    %mul3A_861 = arith.mulf %exp3A_848, %div3A_860 : vector<16x256xf32>
    %mul3A_862 = arith.mulf %exp3A_850, %div3A_860 : vector<16x256xf32>
    %mul3A_863 = arith.mulf %exp3A_852, %div3A_860 : vector<16x256xf32>
    %mul3A_864 = arith.mulf %exp3A_854, %div3A_860 : vector<16x256xf32>
    %concatenate3A_865 = tpu.concatenate %mul3A_861, %mul3A_862, %mul3A_863, %mul3A_864 in 1 : vector<16x256xf32>, vector<16x256xf32>, vector<16x256xf32>, vector<16x256xf32> -> vector<16x1024xf32>
    %add3A_866 = arith.addf %slice3A_805, %slice3A_808 : vector<16x256xf32>
    %ge3A_867 = arith.constant 0.000000e+00 : f32
    %ge3A_868 = vector.broadcast %ge3A_867 : f32 to vector<16x256xf32>
    %ge3A_869 = arith.cmpf oge, %add3A_866, %ge3A_868 : vector<16x256xf32>
    %mul3A_870 = arith.constant 2.000000e-01 : f32
    %mul3A_871 = vector.broadcast %mul3A_870 : f32 to vector<16x256xf32>
    %mul3A_872 = arith.mulf %mul3A_871, %add3A_866 : vector<16x256xf32>
    %select_n3A_873 = arith.select %ge3A_869, %add3A_866, %mul3A_872 : vector<16x256xi1>, vector<16x256xf32>
    %add3A_874 = arith.addf %slice3A_805, %slice3A_809 : vector<16x256xf32>
    %ge3A_875 = arith.constant 0.000000e+00 : f32
    %ge3A_876 = vector.broadcast %ge3A_875 : f32 to vector<16x256xf32>
    %ge3A_877 = arith.cmpf oge, %add3A_874, %ge3A_876 : vector<16x256xf32>
    %mul3A_878 = arith.constant 2.000000e-01 : f32
    %mul3A_879 = vector.broadcast %mul3A_878 : f32 to vector<16x256xf32>
    %mul3A_880 = arith.mulf %mul3A_879, %add3A_874 : vector<16x256xf32>
    %select_n3A_881 = arith.select %ge3A_877, %add3A_874, %mul3A_880 : vector<16x256xi1>, vector<16x256xf32>
    %add3A_882 = arith.addf %slice3A_805, %slice3A_810 : vector<16x256xf32>
    %ge3A_883 = arith.constant 0.000000e+00 : f32
    %ge3A_884 = vector.broadcast %ge3A_883 : f32 to vector<16x256xf32>
    %ge3A_885 = arith.cmpf oge, %add3A_882, %ge3A_884 : vector<16x256xf32>
    %mul3A_886 = arith.constant 2.000000e-01 : f32
    %mul3A_887 = vector.broadcast %mul3A_886 : f32 to vector<16x256xf32>
    %mul3A_888 = arith.mulf %mul3A_887, %add3A_882 : vector<16x256xf32>
    %select_n3A_889 = arith.select %ge3A_885, %add3A_882, %mul3A_888 : vector<16x256xi1>, vector<16x256xf32>
    %add3A_890 = arith.addf %slice3A_805, %slice3A_811 : vector<16x256xf32>
    %ge3A_891 = arith.constant 0.000000e+00 : f32
    %ge3A_892 = vector.broadcast %ge3A_891 : f32 to vector<16x256xf32>
    %ge3A_893 = arith.cmpf oge, %add3A_890, %ge3A_892 : vector<16x256xf32>
    %mul3A_894 = arith.constant 2.000000e-01 : f32
    %mul3A_895 = vector.broadcast %mul3A_894 : f32 to vector<16x256xf32>
    %mul3A_896 = arith.mulf %mul3A_895, %add3A_890 : vector<16x256xf32>
    %select_n3A_897 = arith.select %ge3A_893, %add3A_890, %mul3A_896 : vector<16x256xi1>, vector<16x256xf32>
    %max3A_898 = arith.maximumf %select_n3A_873, %select_n3A_881 : vector<16x256xf32>
    %max3A_899 = arith.maximumf %select_n3A_889, %select_n3A_897 : vector<16x256xf32>
    %max3A_900 = arith.maximumf %max3A_898, %max3A_899 : vector<16x256xf32>
    %sub3A_901 = arith.subf %select_n3A_873, %max3A_900 : vector<16x256xf32>
    %exp3A_902 = math.exp %sub3A_901 : vector<16x256xf32>
    %sub3A_903 = arith.subf %select_n3A_881, %max3A_900 : vector<16x256xf32>
    %exp3A_904 = math.exp %sub3A_903 : vector<16x256xf32>
    %sub3A_905 = arith.subf %select_n3A_889, %max3A_900 : vector<16x256xf32>
    %exp3A_906 = math.exp %sub3A_905 : vector<16x256xf32>
    %sub3A_907 = arith.subf %select_n3A_897, %max3A_900 : vector<16x256xf32>
    %exp3A_908 = math.exp %sub3A_907 : vector<16x256xf32>
    %add3A_909 = arith.addf %exp3A_902, %exp3A_904 : vector<16x256xf32>
    %add3A_910 = arith.addf %add3A_909, %exp3A_906 : vector<16x256xf32>
    %add3A_911 = arith.addf %add3A_910, %exp3A_908 : vector<16x256xf32>
    %div3A_912 = arith.constant 1.000000e+00 : f32
    %div3A_913 = vector.broadcast %div3A_912 : f32 to vector<16x256xf32>
    %div3A_914 = arith.divf %div3A_913, %add3A_911 : vector<16x256xf32>
    %mul3A_915 = arith.mulf %exp3A_902, %div3A_914 : vector<16x256xf32>
    %mul3A_916 = arith.mulf %exp3A_904, %div3A_914 : vector<16x256xf32>
    %mul3A_917 = arith.mulf %exp3A_906, %div3A_914 : vector<16x256xf32>
    %mul3A_918 = arith.mulf %exp3A_908, %div3A_914 : vector<16x256xf32>
    %concatenate3A_919 = tpu.concatenate %mul3A_915, %mul3A_916, %mul3A_917, %mul3A_918 in 1 : vector<16x256xf32>, vector<16x256xf32>, vector<16x256xf32>, vector<16x256xf32> -> vector<16x1024xf32>
    %add3A_920 = arith.addf %slice3A_806, %slice3A_808 : vector<16x256xf32>
    %ge3A_921 = arith.constant 0.000000e+00 : f32
    %ge3A_922 = vector.broadcast %ge3A_921 : f32 to vector<16x256xf32>
    %ge3A_923 = arith.cmpf oge, %add3A_920, %ge3A_922 : vector<16x256xf32>
    %mul3A_924 = arith.constant 2.000000e-01 : f32
    %mul3A_925 = vector.broadcast %mul3A_924 : f32 to vector<16x256xf32>
    %mul3A_926 = arith.mulf %mul3A_925, %add3A_920 : vector<16x256xf32>
    %select_n3A_927 = arith.select %ge3A_923, %add3A_920, %mul3A_926 : vector<16x256xi1>, vector<16x256xf32>
    %add3A_928 = arith.addf %slice3A_806, %slice3A_809 : vector<16x256xf32>
    %ge3A_929 = arith.constant 0.000000e+00 : f32
    %ge3A_930 = vector.broadcast %ge3A_929 : f32 to vector<16x256xf32>
    %ge3A_931 = arith.cmpf oge, %add3A_928, %ge3A_930 : vector<16x256xf32>
    %mul3A_932 = arith.constant 2.000000e-01 : f32
    %mul3A_933 = vector.broadcast %mul3A_932 : f32 to vector<16x256xf32>
    %mul3A_934 = arith.mulf %mul3A_933, %add3A_928 : vector<16x256xf32>
    %select_n3A_935 = arith.select %ge3A_931, %add3A_928, %mul3A_934 : vector<16x256xi1>, vector<16x256xf32>
    %add3A_936 = arith.addf %slice3A_806, %slice3A_810 : vector<16x256xf32>
    %ge3A_937 = arith.constant 0.000000e+00 : f32
    %ge3A_938 = vector.broadcast %ge3A_937 : f32 to vector<16x256xf32>
    %ge3A_939 = arith.cmpf oge, %add3A_936, %ge3A_938 : vector<16x256xf32>
    %mul3A_940 = arith.constant 2.000000e-01 : f32
    %mul3A_941 = vector.broadcast %mul3A_940 : f32 to vector<16x256xf32>
    %mul3A_942 = arith.mulf %mul3A_941, %add3A_936 : vector<16x256xf32>
    %select_n3A_943 = arith.select %ge3A_939, %add3A_936, %mul3A_942 : vector<16x256xi1>, vector<16x256xf32>
    %add3A_944 = arith.addf %slice3A_806, %slice3A_811 : vector<16x256xf32>
    %ge3A_945 = arith.constant 0.000000e+00 : f32
    %ge3A_946 = vector.broadcast %ge3A_945 : f32 to vector<16x256xf32>
    %ge3A_947 = arith.cmpf oge, %add3A_944, %ge3A_946 : vector<16x256xf32>
    %mul3A_948 = arith.constant 2.000000e-01 : f32
    %mul3A_949 = vector.broadcast %mul3A_948 : f32 to vector<16x256xf32>
    %mul3A_950 = arith.mulf %mul3A_949, %add3A_944 : vector<16x256xf32>
    %select_n3A_951 = arith.select %ge3A_947, %add3A_944, %mul3A_950 : vector<16x256xi1>, vector<16x256xf32>
    %max3A_952 = arith.maximumf %select_n3A_927, %select_n3A_935 : vector<16x256xf32>
    %max3A_953 = arith.maximumf %select_n3A_943, %select_n3A_951 : vector<16x256xf32>
    %max3A_954 = arith.maximumf %max3A_952, %max3A_953 : vector<16x256xf32>
    %sub3A_955 = arith.subf %select_n3A_927, %max3A_954 : vector<16x256xf32>
    %exp3A_956 = math.exp %sub3A_955 : vector<16x256xf32>
    %sub3A_957 = arith.subf %select_n3A_935, %max3A_954 : vector<16x256xf32>
    %exp3A_958 = math.exp %sub3A_957 : vector<16x256xf32>
    %sub3A_959 = arith.subf %select_n3A_943, %max3A_954 : vector<16x256xf32>
    %exp3A_960 = math.exp %sub3A_959 : vector<16x256xf32>
    %sub3A_961 = arith.subf %select_n3A_951, %max3A_954 : vector<16x256xf32>
    %exp3A_962 = math.exp %sub3A_961 : vector<16x256xf32>
    %add3A_963 = arith.addf %exp3A_956, %exp3A_958 : vector<16x256xf32>
    %add3A_964 = arith.addf %add3A_963, %exp3A_960 : vector<16x256xf32>
    %add3A_965 = arith.addf %add3A_964, %exp3A_962 : vector<16x256xf32>
    %div3A_966 = arith.constant 1.000000e+00 : f32
    %div3A_967 = vector.broadcast %div3A_966 : f32 to vector<16x256xf32>
    %div3A_968 = arith.divf %div3A_967, %add3A_965 : vector<16x256xf32>
    %mul3A_969 = arith.mulf %exp3A_956, %div3A_968 : vector<16x256xf32>
    %mul3A_970 = arith.mulf %exp3A_958, %div3A_968 : vector<16x256xf32>
    %mul3A_971 = arith.mulf %exp3A_960, %div3A_968 : vector<16x256xf32>
    %mul3A_972 = arith.mulf %exp3A_962, %div3A_968 : vector<16x256xf32>
    %concatenate3A_973 = tpu.concatenate %mul3A_969, %mul3A_970, %mul3A_971, %mul3A_972 in 1 : vector<16x256xf32>, vector<16x256xf32>, vector<16x256xf32>, vector<16x256xf32> -> vector<16x1024xf32>
    %add3A_974 = arith.addf %slice3A_807, %slice3A_808 : vector<16x256xf32>
    %ge3A_975 = arith.constant 0.000000e+00 : f32
    %ge3A_976 = vector.broadcast %ge3A_975 : f32 to vector<16x256xf32>
    %ge3A_977 = arith.cmpf oge, %add3A_974, %ge3A_976 : vector<16x256xf32>
    %mul3A_978 = arith.constant 2.000000e-01 : f32
    %mul3A_979 = vector.broadcast %mul3A_978 : f32 to vector<16x256xf32>
    %mul3A_980 = arith.mulf %mul3A_979, %add3A_974 : vector<16x256xf32>
    %select_n3A_981 = arith.select %ge3A_977, %add3A_974, %mul3A_980 : vector<16x256xi1>, vector<16x256xf32>
    %add3A_982 = arith.addf %slice3A_807, %slice3A_809 : vector<16x256xf32>
    %ge3A_983 = arith.constant 0.000000e+00 : f32
    %ge3A_984 = vector.broadcast %ge3A_983 : f32 to vector<16x256xf32>
    %ge3A_985 = arith.cmpf oge, %add3A_982, %ge3A_984 : vector<16x256xf32>
    %mul3A_986 = arith.constant 2.000000e-01 : f32
    %mul3A_987 = vector.broadcast %mul3A_986 : f32 to vector<16x256xf32>
    %mul3A_988 = arith.mulf %mul3A_987, %add3A_982 : vector<16x256xf32>
    %select_n3A_989 = arith.select %ge3A_985, %add3A_982, %mul3A_988 : vector<16x256xi1>, vector<16x256xf32>
    %add3A_990 = arith.addf %slice3A_807, %slice3A_810 : vector<16x256xf32>
    %ge3A_991 = arith.constant 0.000000e+00 : f32
    %ge3A_992 = vector.broadcast %ge3A_991 : f32 to vector<16x256xf32>
    %ge3A_993 = arith.cmpf oge, %add3A_990, %ge3A_992 : vector<16x256xf32>
    %mul3A_994 = arith.constant 2.000000e-01 : f32
    %mul3A_995 = vector.broadcast %mul3A_994 : f32 to vector<16x256xf32>
    %mul3A_996 = arith.mulf %mul3A_995, %add3A_990 : vector<16x256xf32>
    %select_n3A_997 = arith.select %ge3A_993, %add3A_990, %mul3A_996 : vector<16x256xi1>, vector<16x256xf32>
    %add3A_998 = arith.addf %slice3A_807, %slice3A_811 : vector<16x256xf32>
    %ge3A_999 = arith.constant 0.000000e+00 : f32
    %ge3A_1000 = vector.broadcast %ge3A_999 : f32 to vector<16x256xf32>
    %ge3A_1001 = arith.cmpf oge, %add3A_998, %ge3A_1000 : vector<16x256xf32>
    %mul3A_1002 = arith.constant 2.000000e-01 : f32
    %mul3A_1003 = vector.broadcast %mul3A_1002 : f32 to vector<16x256xf32>
    %mul3A_1004 = arith.mulf %mul3A_1003, %add3A_998 : vector<16x256xf32>
    %select_n3A_1005 = arith.select %ge3A_1001, %add3A_998, %mul3A_1004 : vector<16x256xi1>, vector<16x256xf32>
    %max3A_1006 = arith.maximumf %select_n3A_981, %select_n3A_989 : vector<16x256xf32>
    %max3A_1007 = arith.maximumf %select_n3A_997, %select_n3A_1005 : vector<16x256xf32>
    %max3A_1008 = arith.maximumf %max3A_1006, %max3A_1007 : vector<16x256xf32>
    %sub3A_1009 = arith.subf %select_n3A_981, %max3A_1008 : vector<16x256xf32>
    %exp3A_1010 = math.exp %sub3A_1009 : vector<16x256xf32>
    %sub3A_1011 = arith.subf %select_n3A_989, %max3A_1008 : vector<16x256xf32>
    %exp3A_1012 = math.exp %sub3A_1011 : vector<16x256xf32>
    %sub3A_1013 = arith.subf %select_n3A_997, %max3A_1008 : vector<16x256xf32>
    %exp3A_1014 = math.exp %sub3A_1013 : vector<16x256xf32>
    %sub3A_1015 = arith.subf %select_n3A_1005, %max3A_1008 : vector<16x256xf32>
    %exp3A_1016 = math.exp %sub3A_1015 : vector<16x256xf32>
    %add3A_1017 = arith.addf %exp3A_1010, %exp3A_1012 : vector<16x256xf32>
    %add3A_1018 = arith.addf %add3A_1017, %exp3A_1014 : vector<16x256xf32>
    %add3A_1019 = arith.addf %add3A_1018, %exp3A_1016 : vector<16x256xf32>
    %div3A_1020 = arith.constant 1.000000e+00 : f32
    %div3A_1021 = vector.broadcast %div3A_1020 : f32 to vector<16x256xf32>
    %div3A_1022 = arith.divf %div3A_1021, %add3A_1019 : vector<16x256xf32>
    %mul3A_1023 = arith.mulf %exp3A_1010, %div3A_1022 : vector<16x256xf32>
    %mul3A_1024 = arith.mulf %exp3A_1012, %div3A_1022 : vector<16x256xf32>
    %mul3A_1025 = arith.mulf %exp3A_1014, %div3A_1022 : vector<16x256xf32>
    %mul3A_1026 = arith.mulf %exp3A_1016, %div3A_1022 : vector<16x256xf32>
    %concatenate3A_1027 = tpu.concatenate %mul3A_1023, %mul3A_1024, %mul3A_1025, %mul3A_1026 in 1 : vector<16x256xf32>, vector<16x256xf32>, vector<16x256xf32>, vector<16x256xf32> -> vector<16x1024xf32>
    %concatenate3A_1028 = tpu.concatenate %concatenate3A_865, %concatenate3A_919, %concatenate3A_973, %concatenate3A_1027 in 1 : vector<16x1024xf32>, vector<16x1024xf32>, vector<16x1024xf32>, vector<16x1024xf32> -> vector<16x4096xf32>
    %dot_general3A_1029 = arith.constant dense<0.000000e+00> : vector<256x4096xf32>
    %dot_general3A_1030 = tpu.matmul %get3A_21, %concatenate3A_1028, %dot_general3A_1029 {dimension_numbers = #tpu.dot_dimension_numbers<[1], [0], [0], [1], [0, 0, 1, 1], [], []>, transpose_lhs_hint = false} : vector<256x16xf32>, vector<16x4096xf32>, vector<256x4096xf32> -> vector<256x4096xf32>
    %slice3A_1031 = vector.extract_strided_slice %dot_general3A_8 {offsets = [0, 3072], sizes = [256, 1024], strides = [1, 1]} : vector<256x6144xf32> to vector<256x1024xf32>
    %slice3A_1032 = vector.extract_strided_slice %dot_general3A_1030 {offsets = [0, 0], sizes = [256, 1024], strides = [1, 1]} : vector<256x4096xf32> to vector<256x1024xf32>
    %mul3A_1033 = arith.mulf %slice3A_1032, %slice3A_1031 : vector<256x1024xf32>
    %slice3A_1034 = vector.extract_strided_slice %mul3A_1033 {offsets = [0, 0], sizes = [256, 256], strides = [1, 1]} : vector<256x1024xf32> to vector<256x256xf32>
    %slice3A_1035 = vector.extract_strided_slice %mul3A_1033 {offsets = [0, 256], sizes = [256, 256], strides = [1, 1]} : vector<256x1024xf32> to vector<256x256xf32>
    %add3A_1036 = arith.addf %slice3A_1034, %slice3A_1035 : vector<256x256xf32>
    %slice3A_1037 = vector.extract_strided_slice %mul3A_1033 {offsets = [0, 512], sizes = [256, 256], strides = [1, 1]} : vector<256x1024xf32> to vector<256x256xf32>
    %add3A_1038 = arith.addf %add3A_1036, %slice3A_1037 : vector<256x256xf32>
    %slice3A_1039 = vector.extract_strided_slice %mul3A_1033 {offsets = [0, 768], sizes = [256, 256], strides = [1, 1]} : vector<256x1024xf32> to vector<256x256xf32>
    %add3A_1040 = arith.addf %add3A_1038, %slice3A_1039 : vector<256x256xf32>
    %slice3A_1041 = vector.extract_strided_slice %dot_general3A_1030 {offsets = [0, 1024], sizes = [256, 1024], strides = [1, 1]} : vector<256x4096xf32> to vector<256x1024xf32>
    %mul3A_1042 = arith.mulf %slice3A_1041, %slice3A_1031 : vector<256x1024xf32>
    %slice3A_1043 = vector.extract_strided_slice %mul3A_1042 {offsets = [0, 0], sizes = [256, 256], strides = [1, 1]} : vector<256x1024xf32> to vector<256x256xf32>
    %slice3A_1044 = vector.extract_strided_slice %mul3A_1042 {offsets = [0, 256], sizes = [256, 256], strides = [1, 1]} : vector<256x1024xf32> to vector<256x256xf32>
    %add3A_1045 = arith.addf %slice3A_1043, %slice3A_1044 : vector<256x256xf32>
    %slice3A_1046 = vector.extract_strided_slice %mul3A_1042 {offsets = [0, 512], sizes = [256, 256], strides = [1, 1]} : vector<256x1024xf32> to vector<256x256xf32>
    %add3A_1047 = arith.addf %add3A_1045, %slice3A_1046 : vector<256x256xf32>
    %slice3A_1048 = vector.extract_strided_slice %mul3A_1042 {offsets = [0, 768], sizes = [256, 256], strides = [1, 1]} : vector<256x1024xf32> to vector<256x256xf32>
    %add3A_1049 = arith.addf %add3A_1047, %slice3A_1048 : vector<256x256xf32>
    %slice3A_1050 = vector.extract_strided_slice %dot_general3A_1030 {offsets = [0, 2048], sizes = [256, 1024], strides = [1, 1]} : vector<256x4096xf32> to vector<256x1024xf32>
    %mul3A_1051 = arith.mulf %slice3A_1050, %slice3A_1031 : vector<256x1024xf32>
    %slice3A_1052 = vector.extract_strided_slice %mul3A_1051 {offsets = [0, 0], sizes = [256, 256], strides = [1, 1]} : vector<256x1024xf32> to vector<256x256xf32>
    %slice3A_1053 = vector.extract_strided_slice %mul3A_1051 {offsets = [0, 256], sizes = [256, 256], strides = [1, 1]} : vector<256x1024xf32> to vector<256x256xf32>
    %add3A_1054 = arith.addf %slice3A_1052, %slice3A_1053 : vector<256x256xf32>
    %slice3A_1055 = vector.extract_strided_slice %mul3A_1051 {offsets = [0, 512], sizes = [256, 256], strides = [1, 1]} : vector<256x1024xf32> to vector<256x256xf32>
    %add3A_1056 = arith.addf %add3A_1054, %slice3A_1055 : vector<256x256xf32>
    %slice3A_1057 = vector.extract_strided_slice %mul3A_1051 {offsets = [0, 768], sizes = [256, 256], strides = [1, 1]} : vector<256x1024xf32> to vector<256x256xf32>
    %add3A_1058 = arith.addf %add3A_1056, %slice3A_1057 : vector<256x256xf32>
    %slice3A_1059 = vector.extract_strided_slice %dot_general3A_1030 {offsets = [0, 3072], sizes = [256, 1024], strides = [1, 1]} : vector<256x4096xf32> to vector<256x1024xf32>
    %mul3A_1060 = arith.mulf %slice3A_1059, %slice3A_1031 : vector<256x1024xf32>
    %slice3A_1061 = vector.extract_strided_slice %mul3A_1060 {offsets = [0, 0], sizes = [256, 256], strides = [1, 1]} : vector<256x1024xf32> to vector<256x256xf32>
    %slice3A_1062 = vector.extract_strided_slice %mul3A_1060 {offsets = [0, 256], sizes = [256, 256], strides = [1, 1]} : vector<256x1024xf32> to vector<256x256xf32>
    %add3A_1063 = arith.addf %slice3A_1061, %slice3A_1062 : vector<256x256xf32>
    %slice3A_1064 = vector.extract_strided_slice %mul3A_1060 {offsets = [0, 512], sizes = [256, 256], strides = [1, 1]} : vector<256x1024xf32> to vector<256x256xf32>
    %add3A_1065 = arith.addf %add3A_1063, %slice3A_1064 : vector<256x256xf32>
    %slice3A_1066 = vector.extract_strided_slice %mul3A_1060 {offsets = [0, 768], sizes = [256, 256], strides = [1, 1]} : vector<256x1024xf32> to vector<256x256xf32>
    %add3A_1067 = arith.addf %add3A_1065, %slice3A_1066 : vector<256x256xf32>
    %slice3A_1068 = vector.extract_strided_slice %dot_general3A_13 {offsets = [0, 4096], sizes = [16, 256], strides = [1, 1]} : vector<16x6144xf32> to vector<16x256xf32>
    %slice3A_1069 = vector.extract_strided_slice %dot_general3A_13 {offsets = [0, 4352], sizes = [16, 256], strides = [1, 1]} : vector<16x6144xf32> to vector<16x256xf32>
    %slice3A_1070 = vector.extract_strided_slice %dot_general3A_13 {offsets = [0, 4608], sizes = [16, 256], strides = [1, 1]} : vector<16x6144xf32> to vector<16x256xf32>
    %slice3A_1071 = vector.extract_strided_slice %dot_general3A_13 {offsets = [0, 4864], sizes = [16, 256], strides = [1, 1]} : vector<16x6144xf32> to vector<16x256xf32>
    %slice3A_1072 = vector.extract_strided_slice %dot_general3A_18 {offsets = [0, 4096], sizes = [16, 256], strides = [1, 1]} : vector<16x6144xf32> to vector<16x256xf32>
    %slice3A_1073 = vector.extract_strided_slice %dot_general3A_18 {offsets = [0, 4352], sizes = [16, 256], strides = [1, 1]} : vector<16x6144xf32> to vector<16x256xf32>
    %slice3A_1074 = vector.extract_strided_slice %dot_general3A_18 {offsets = [0, 4608], sizes = [16, 256], strides = [1, 1]} : vector<16x6144xf32> to vector<16x256xf32>
    %slice3A_1075 = vector.extract_strided_slice %dot_general3A_18 {offsets = [0, 4864], sizes = [16, 256], strides = [1, 1]} : vector<16x6144xf32> to vector<16x256xf32>
    %add3A_1076 = arith.addf %slice3A_1068, %slice3A_1072 : vector<16x256xf32>
    %ge3A_1077 = arith.constant 0.000000e+00 : f32
    %ge3A_1078 = vector.broadcast %ge3A_1077 : f32 to vector<16x256xf32>
    %ge3A_1079 = arith.cmpf oge, %add3A_1076, %ge3A_1078 : vector<16x256xf32>
    %mul3A_1080 = arith.constant 2.000000e-01 : f32
    %mul3A_1081 = vector.broadcast %mul3A_1080 : f32 to vector<16x256xf32>
    %mul3A_1082 = arith.mulf %mul3A_1081, %add3A_1076 : vector<16x256xf32>
    %select_n3A_1083 = arith.select %ge3A_1079, %add3A_1076, %mul3A_1082 : vector<16x256xi1>, vector<16x256xf32>
    %add3A_1084 = arith.addf %slice3A_1068, %slice3A_1073 : vector<16x256xf32>
    %ge3A_1085 = arith.constant 0.000000e+00 : f32
    %ge3A_1086 = vector.broadcast %ge3A_1085 : f32 to vector<16x256xf32>
    %ge3A_1087 = arith.cmpf oge, %add3A_1084, %ge3A_1086 : vector<16x256xf32>
    %mul3A_1088 = arith.constant 2.000000e-01 : f32
    %mul3A_1089 = vector.broadcast %mul3A_1088 : f32 to vector<16x256xf32>
    %mul3A_1090 = arith.mulf %mul3A_1089, %add3A_1084 : vector<16x256xf32>
    %select_n3A_1091 = arith.select %ge3A_1087, %add3A_1084, %mul3A_1090 : vector<16x256xi1>, vector<16x256xf32>
    %add3A_1092 = arith.addf %slice3A_1068, %slice3A_1074 : vector<16x256xf32>
    %ge3A_1093 = arith.constant 0.000000e+00 : f32
    %ge3A_1094 = vector.broadcast %ge3A_1093 : f32 to vector<16x256xf32>
    %ge3A_1095 = arith.cmpf oge, %add3A_1092, %ge3A_1094 : vector<16x256xf32>
    %mul3A_1096 = arith.constant 2.000000e-01 : f32
    %mul3A_1097 = vector.broadcast %mul3A_1096 : f32 to vector<16x256xf32>
    %mul3A_1098 = arith.mulf %mul3A_1097, %add3A_1092 : vector<16x256xf32>
    %select_n3A_1099 = arith.select %ge3A_1095, %add3A_1092, %mul3A_1098 : vector<16x256xi1>, vector<16x256xf32>
    %add3A_1100 = arith.addf %slice3A_1068, %slice3A_1075 : vector<16x256xf32>
    %ge3A_1101 = arith.constant 0.000000e+00 : f32
    %ge3A_1102 = vector.broadcast %ge3A_1101 : f32 to vector<16x256xf32>
    %ge3A_1103 = arith.cmpf oge, %add3A_1100, %ge3A_1102 : vector<16x256xf32>
    %mul3A_1104 = arith.constant 2.000000e-01 : f32
    %mul3A_1105 = vector.broadcast %mul3A_1104 : f32 to vector<16x256xf32>
    %mul3A_1106 = arith.mulf %mul3A_1105, %add3A_1100 : vector<16x256xf32>
    %select_n3A_1107 = arith.select %ge3A_1103, %add3A_1100, %mul3A_1106 : vector<16x256xi1>, vector<16x256xf32>
    %max3A_1108 = arith.maximumf %select_n3A_1083, %select_n3A_1091 : vector<16x256xf32>
    %max3A_1109 = arith.maximumf %select_n3A_1099, %select_n3A_1107 : vector<16x256xf32>
    %max3A_1110 = arith.maximumf %max3A_1108, %max3A_1109 : vector<16x256xf32>
    %sub3A_1111 = arith.subf %select_n3A_1083, %max3A_1110 : vector<16x256xf32>
    %exp3A_1112 = math.exp %sub3A_1111 : vector<16x256xf32>
    %sub3A_1113 = arith.subf %select_n3A_1091, %max3A_1110 : vector<16x256xf32>
    %exp3A_1114 = math.exp %sub3A_1113 : vector<16x256xf32>
    %sub3A_1115 = arith.subf %select_n3A_1099, %max3A_1110 : vector<16x256xf32>
    %exp3A_1116 = math.exp %sub3A_1115 : vector<16x256xf32>
    %sub3A_1117 = arith.subf %select_n3A_1107, %max3A_1110 : vector<16x256xf32>
    %exp3A_1118 = math.exp %sub3A_1117 : vector<16x256xf32>
    %add3A_1119 = arith.addf %exp3A_1112, %exp3A_1114 : vector<16x256xf32>
    %add3A_1120 = arith.addf %add3A_1119, %exp3A_1116 : vector<16x256xf32>
    %add3A_1121 = arith.addf %add3A_1120, %exp3A_1118 : vector<16x256xf32>
    %div3A_1122 = arith.constant 1.000000e+00 : f32
    %div3A_1123 = vector.broadcast %div3A_1122 : f32 to vector<16x256xf32>
    %div3A_1124 = arith.divf %div3A_1123, %add3A_1121 : vector<16x256xf32>
    %mul3A_1125 = arith.mulf %exp3A_1112, %div3A_1124 : vector<16x256xf32>
    %mul3A_1126 = arith.mulf %exp3A_1114, %div3A_1124 : vector<16x256xf32>
    %mul3A_1127 = arith.mulf %exp3A_1116, %div3A_1124 : vector<16x256xf32>
    %mul3A_1128 = arith.mulf %exp3A_1118, %div3A_1124 : vector<16x256xf32>
    %concatenate3A_1129 = tpu.concatenate %mul3A_1125, %mul3A_1126, %mul3A_1127, %mul3A_1128 in 1 : vector<16x256xf32>, vector<16x256xf32>, vector<16x256xf32>, vector<16x256xf32> -> vector<16x1024xf32>
    %add3A_1130 = arith.addf %slice3A_1069, %slice3A_1072 : vector<16x256xf32>
    %ge3A_1131 = arith.constant 0.000000e+00 : f32
    %ge3A_1132 = vector.broadcast %ge3A_1131 : f32 to vector<16x256xf32>
    %ge3A_1133 = arith.cmpf oge, %add3A_1130, %ge3A_1132 : vector<16x256xf32>
    %mul3A_1134 = arith.constant 2.000000e-01 : f32
    %mul3A_1135 = vector.broadcast %mul3A_1134 : f32 to vector<16x256xf32>
    %mul3A_1136 = arith.mulf %mul3A_1135, %add3A_1130 : vector<16x256xf32>
    %select_n3A_1137 = arith.select %ge3A_1133, %add3A_1130, %mul3A_1136 : vector<16x256xi1>, vector<16x256xf32>
    %add3A_1138 = arith.addf %slice3A_1069, %slice3A_1073 : vector<16x256xf32>
    %ge3A_1139 = arith.constant 0.000000e+00 : f32
    %ge3A_1140 = vector.broadcast %ge3A_1139 : f32 to vector<16x256xf32>
    %ge3A_1141 = arith.cmpf oge, %add3A_1138, %ge3A_1140 : vector<16x256xf32>
    %mul3A_1142 = arith.constant 2.000000e-01 : f32
    %mul3A_1143 = vector.broadcast %mul3A_1142 : f32 to vector<16x256xf32>
    %mul3A_1144 = arith.mulf %mul3A_1143, %add3A_1138 : vector<16x256xf32>
    %select_n3A_1145 = arith.select %ge3A_1141, %add3A_1138, %mul3A_1144 : vector<16x256xi1>, vector<16x256xf32>
    %add3A_1146 = arith.addf %slice3A_1069, %slice3A_1074 : vector<16x256xf32>
    %ge3A_1147 = arith.constant 0.000000e+00 : f32
    %ge3A_1148 = vector.broadcast %ge3A_1147 : f32 to vector<16x256xf32>
    %ge3A_1149 = arith.cmpf oge, %add3A_1146, %ge3A_1148 : vector<16x256xf32>
    %mul3A_1150 = arith.constant 2.000000e-01 : f32
    %mul3A_1151 = vector.broadcast %mul3A_1150 : f32 to vector<16x256xf32>
    %mul3A_1152 = arith.mulf %mul3A_1151, %add3A_1146 : vector<16x256xf32>
    %select_n3A_1153 = arith.select %ge3A_1149, %add3A_1146, %mul3A_1152 : vector<16x256xi1>, vector<16x256xf32>
    %add3A_1154 = arith.addf %slice3A_1069, %slice3A_1075 : vector<16x256xf32>
    %ge3A_1155 = arith.constant 0.000000e+00 : f32
    %ge3A_1156 = vector.broadcast %ge3A_1155 : f32 to vector<16x256xf32>
    %ge3A_1157 = arith.cmpf oge, %add3A_1154, %ge3A_1156 : vector<16x256xf32>
    %mul3A_1158 = arith.constant 2.000000e-01 : f32
    %mul3A_1159 = vector.broadcast %mul3A_1158 : f32 to vector<16x256xf32>
    %mul3A_1160 = arith.mulf %mul3A_1159, %add3A_1154 : vector<16x256xf32>
    %select_n3A_1161 = arith.select %ge3A_1157, %add3A_1154, %mul3A_1160 : vector<16x256xi1>, vector<16x256xf32>
    %max3A_1162 = arith.maximumf %select_n3A_1137, %select_n3A_1145 : vector<16x256xf32>
    %max3A_1163 = arith.maximumf %select_n3A_1153, %select_n3A_1161 : vector<16x256xf32>
    %max3A_1164 = arith.maximumf %max3A_1162, %max3A_1163 : vector<16x256xf32>
    %sub3A_1165 = arith.subf %select_n3A_1137, %max3A_1164 : vector<16x256xf32>
    %exp3A_1166 = math.exp %sub3A_1165 : vector<16x256xf32>
    %sub3A_1167 = arith.subf %select_n3A_1145, %max3A_1164 : vector<16x256xf32>
    %exp3A_1168 = math.exp %sub3A_1167 : vector<16x256xf32>
    %sub3A_1169 = arith.subf %select_n3A_1153, %max3A_1164 : vector<16x256xf32>
    %exp3A_1170 = math.exp %sub3A_1169 : vector<16x256xf32>
    %sub3A_1171 = arith.subf %select_n3A_1161, %max3A_1164 : vector<16x256xf32>
    %exp3A_1172 = math.exp %sub3A_1171 : vector<16x256xf32>
    %add3A_1173 = arith.addf %exp3A_1166, %exp3A_1168 : vector<16x256xf32>
    %add3A_1174 = arith.addf %add3A_1173, %exp3A_1170 : vector<16x256xf32>
    %add3A_1175 = arith.addf %add3A_1174, %exp3A_1172 : vector<16x256xf32>
    %div3A_1176 = arith.constant 1.000000e+00 : f32
    %div3A_1177 = vector.broadcast %div3A_1176 : f32 to vector<16x256xf32>
    %div3A_1178 = arith.divf %div3A_1177, %add3A_1175 : vector<16x256xf32>
    %mul3A_1179 = arith.mulf %exp3A_1166, %div3A_1178 : vector<16x256xf32>
    %mul3A_1180 = arith.mulf %exp3A_1168, %div3A_1178 : vector<16x256xf32>
    %mul3A_1181 = arith.mulf %exp3A_1170, %div3A_1178 : vector<16x256xf32>
    %mul3A_1182 = arith.mulf %exp3A_1172, %div3A_1178 : vector<16x256xf32>
    %concatenate3A_1183 = tpu.concatenate %mul3A_1179, %mul3A_1180, %mul3A_1181, %mul3A_1182 in 1 : vector<16x256xf32>, vector<16x256xf32>, vector<16x256xf32>, vector<16x256xf32> -> vector<16x1024xf32>
    %add3A_1184 = arith.addf %slice3A_1070, %slice3A_1072 : vector<16x256xf32>
    %ge3A_1185 = arith.constant 0.000000e+00 : f32
    %ge3A_1186 = vector.broadcast %ge3A_1185 : f32 to vector<16x256xf32>
    %ge3A_1187 = arith.cmpf oge, %add3A_1184, %ge3A_1186 : vector<16x256xf32>
    %mul3A_1188 = arith.constant 2.000000e-01 : f32
    %mul3A_1189 = vector.broadcast %mul3A_1188 : f32 to vector<16x256xf32>
    %mul3A_1190 = arith.mulf %mul3A_1189, %add3A_1184 : vector<16x256xf32>
    %select_n3A_1191 = arith.select %ge3A_1187, %add3A_1184, %mul3A_1190 : vector<16x256xi1>, vector<16x256xf32>
    %add3A_1192 = arith.addf %slice3A_1070, %slice3A_1073 : vector<16x256xf32>
    %ge3A_1193 = arith.constant 0.000000e+00 : f32
    %ge3A_1194 = vector.broadcast %ge3A_1193 : f32 to vector<16x256xf32>
    %ge3A_1195 = arith.cmpf oge, %add3A_1192, %ge3A_1194 : vector<16x256xf32>
    %mul3A_1196 = arith.constant 2.000000e-01 : f32
    %mul3A_1197 = vector.broadcast %mul3A_1196 : f32 to vector<16x256xf32>
    %mul3A_1198 = arith.mulf %mul3A_1197, %add3A_1192 : vector<16x256xf32>
    %select_n3A_1199 = arith.select %ge3A_1195, %add3A_1192, %mul3A_1198 : vector<16x256xi1>, vector<16x256xf32>
    %add3A_1200 = arith.addf %slice3A_1070, %slice3A_1074 : vector<16x256xf32>
    %ge3A_1201 = arith.constant 0.000000e+00 : f32
    %ge3A_1202 = vector.broadcast %ge3A_1201 : f32 to vector<16x256xf32>
    %ge3A_1203 = arith.cmpf oge, %add3A_1200, %ge3A_1202 : vector<16x256xf32>
    %mul3A_1204 = arith.constant 2.000000e-01 : f32
    %mul3A_1205 = vector.broadcast %mul3A_1204 : f32 to vector<16x256xf32>
    %mul3A_1206 = arith.mulf %mul3A_1205, %add3A_1200 : vector<16x256xf32>
    %select_n3A_1207 = arith.select %ge3A_1203, %add3A_1200, %mul3A_1206 : vector<16x256xi1>, vector<16x256xf32>
    %add3A_1208 = arith.addf %slice3A_1070, %slice3A_1075 : vector<16x256xf32>
    %ge3A_1209 = arith.constant 0.000000e+00 : f32
    %ge3A_1210 = vector.broadcast %ge3A_1209 : f32 to vector<16x256xf32>
    %ge3A_1211 = arith.cmpf oge, %add3A_1208, %ge3A_1210 : vector<16x256xf32>
    %mul3A_1212 = arith.constant 2.000000e-01 : f32
    %mul3A_1213 = vector.broadcast %mul3A_1212 : f32 to vector<16x256xf32>
    %mul3A_1214 = arith.mulf %mul3A_1213, %add3A_1208 : vector<16x256xf32>
    %select_n3A_1215 = arith.select %ge3A_1211, %add3A_1208, %mul3A_1214 : vector<16x256xi1>, vector<16x256xf32>
    %max3A_1216 = arith.maximumf %select_n3A_1191, %select_n3A_1199 : vector<16x256xf32>
    %max3A_1217 = arith.maximumf %select_n3A_1207, %select_n3A_1215 : vector<16x256xf32>
    %max3A_1218 = arith.maximumf %max3A_1216, %max3A_1217 : vector<16x256xf32>
    %sub3A_1219 = arith.subf %select_n3A_1191, %max3A_1218 : vector<16x256xf32>
    %exp3A_1220 = math.exp %sub3A_1219 : vector<16x256xf32>
    %sub3A_1221 = arith.subf %select_n3A_1199, %max3A_1218 : vector<16x256xf32>
    %exp3A_1222 = math.exp %sub3A_1221 : vector<16x256xf32>
    %sub3A_1223 = arith.subf %select_n3A_1207, %max3A_1218 : vector<16x256xf32>
    %exp3A_1224 = math.exp %sub3A_1223 : vector<16x256xf32>
    %sub3A_1225 = arith.subf %select_n3A_1215, %max3A_1218 : vector<16x256xf32>
    %exp3A_1226 = math.exp %sub3A_1225 : vector<16x256xf32>
    %add3A_1227 = arith.addf %exp3A_1220, %exp3A_1222 : vector<16x256xf32>
    %add3A_1228 = arith.addf %add3A_1227, %exp3A_1224 : vector<16x256xf32>
    %add3A_1229 = arith.addf %add3A_1228, %exp3A_1226 : vector<16x256xf32>
    %div3A_1230 = arith.constant 1.000000e+00 : f32
    %div3A_1231 = vector.broadcast %div3A_1230 : f32 to vector<16x256xf32>
    %div3A_1232 = arith.divf %div3A_1231, %add3A_1229 : vector<16x256xf32>
    %mul3A_1233 = arith.mulf %exp3A_1220, %div3A_1232 : vector<16x256xf32>
    %mul3A_1234 = arith.mulf %exp3A_1222, %div3A_1232 : vector<16x256xf32>
    %mul3A_1235 = arith.mulf %exp3A_1224, %div3A_1232 : vector<16x256xf32>
    %mul3A_1236 = arith.mulf %exp3A_1226, %div3A_1232 : vector<16x256xf32>
    %concatenate3A_1237 = tpu.concatenate %mul3A_1233, %mul3A_1234, %mul3A_1235, %mul3A_1236 in 1 : vector<16x256xf32>, vector<16x256xf32>, vector<16x256xf32>, vector<16x256xf32> -> vector<16x1024xf32>
    %add3A_1238 = arith.addf %slice3A_1071, %slice3A_1072 : vector<16x256xf32>
    %ge3A_1239 = arith.constant 0.000000e+00 : f32
    %ge3A_1240 = vector.broadcast %ge3A_1239 : f32 to vector<16x256xf32>
    %ge3A_1241 = arith.cmpf oge, %add3A_1238, %ge3A_1240 : vector<16x256xf32>
    %mul3A_1242 = arith.constant 2.000000e-01 : f32
    %mul3A_1243 = vector.broadcast %mul3A_1242 : f32 to vector<16x256xf32>
    %mul3A_1244 = arith.mulf %mul3A_1243, %add3A_1238 : vector<16x256xf32>
    %select_n3A_1245 = arith.select %ge3A_1241, %add3A_1238, %mul3A_1244 : vector<16x256xi1>, vector<16x256xf32>
    %add3A_1246 = arith.addf %slice3A_1071, %slice3A_1073 : vector<16x256xf32>
    %ge3A_1247 = arith.constant 0.000000e+00 : f32
    %ge3A_1248 = vector.broadcast %ge3A_1247 : f32 to vector<16x256xf32>
    %ge3A_1249 = arith.cmpf oge, %add3A_1246, %ge3A_1248 : vector<16x256xf32>
    %mul3A_1250 = arith.constant 2.000000e-01 : f32
    %mul3A_1251 = vector.broadcast %mul3A_1250 : f32 to vector<16x256xf32>
    %mul3A_1252 = arith.mulf %mul3A_1251, %add3A_1246 : vector<16x256xf32>
    %select_n3A_1253 = arith.select %ge3A_1249, %add3A_1246, %mul3A_1252 : vector<16x256xi1>, vector<16x256xf32>
    %add3A_1254 = arith.addf %slice3A_1071, %slice3A_1074 : vector<16x256xf32>
    %ge3A_1255 = arith.constant 0.000000e+00 : f32
    %ge3A_1256 = vector.broadcast %ge3A_1255 : f32 to vector<16x256xf32>
    %ge3A_1257 = arith.cmpf oge, %add3A_1254, %ge3A_1256 : vector<16x256xf32>
    %mul3A_1258 = arith.constant 2.000000e-01 : f32
    %mul3A_1259 = vector.broadcast %mul3A_1258 : f32 to vector<16x256xf32>
    %mul3A_1260 = arith.mulf %mul3A_1259, %add3A_1254 : vector<16x256xf32>
    %select_n3A_1261 = arith.select %ge3A_1257, %add3A_1254, %mul3A_1260 : vector<16x256xi1>, vector<16x256xf32>
    %add3A_1262 = arith.addf %slice3A_1071, %slice3A_1075 : vector<16x256xf32>
    %ge3A_1263 = arith.constant 0.000000e+00 : f32
    %ge3A_1264 = vector.broadcast %ge3A_1263 : f32 to vector<16x256xf32>
    %ge3A_1265 = arith.cmpf oge, %add3A_1262, %ge3A_1264 : vector<16x256xf32>
    %mul3A_1266 = arith.constant 2.000000e-01 : f32
    %mul3A_1267 = vector.broadcast %mul3A_1266 : f32 to vector<16x256xf32>
    %mul3A_1268 = arith.mulf %mul3A_1267, %add3A_1262 : vector<16x256xf32>
    %select_n3A_1269 = arith.select %ge3A_1265, %add3A_1262, %mul3A_1268 : vector<16x256xi1>, vector<16x256xf32>
    %max3A_1270 = arith.maximumf %select_n3A_1245, %select_n3A_1253 : vector<16x256xf32>
    %max3A_1271 = arith.maximumf %select_n3A_1261, %select_n3A_1269 : vector<16x256xf32>
    %max3A_1272 = arith.maximumf %max3A_1270, %max3A_1271 : vector<16x256xf32>
    %sub3A_1273 = arith.subf %select_n3A_1245, %max3A_1272 : vector<16x256xf32>
    %exp3A_1274 = math.exp %sub3A_1273 : vector<16x256xf32>
    %sub3A_1275 = arith.subf %select_n3A_1253, %max3A_1272 : vector<16x256xf32>
    %exp3A_1276 = math.exp %sub3A_1275 : vector<16x256xf32>
    %sub3A_1277 = arith.subf %select_n3A_1261, %max3A_1272 : vector<16x256xf32>
    %exp3A_1278 = math.exp %sub3A_1277 : vector<16x256xf32>
    %sub3A_1279 = arith.subf %select_n3A_1269, %max3A_1272 : vector<16x256xf32>
    %exp3A_1280 = math.exp %sub3A_1279 : vector<16x256xf32>
    %add3A_1281 = arith.addf %exp3A_1274, %exp3A_1276 : vector<16x256xf32>
    %add3A_1282 = arith.addf %add3A_1281, %exp3A_1278 : vector<16x256xf32>
    %add3A_1283 = arith.addf %add3A_1282, %exp3A_1280 : vector<16x256xf32>
    %div3A_1284 = arith.constant 1.000000e+00 : f32
    %div3A_1285 = vector.broadcast %div3A_1284 : f32 to vector<16x256xf32>
    %div3A_1286 = arith.divf %div3A_1285, %add3A_1283 : vector<16x256xf32>
    %mul3A_1287 = arith.mulf %exp3A_1274, %div3A_1286 : vector<16x256xf32>
    %mul3A_1288 = arith.mulf %exp3A_1276, %div3A_1286 : vector<16x256xf32>
    %mul3A_1289 = arith.mulf %exp3A_1278, %div3A_1286 : vector<16x256xf32>
    %mul3A_1290 = arith.mulf %exp3A_1280, %div3A_1286 : vector<16x256xf32>
    %concatenate3A_1291 = tpu.concatenate %mul3A_1287, %mul3A_1288, %mul3A_1289, %mul3A_1290 in 1 : vector<16x256xf32>, vector<16x256xf32>, vector<16x256xf32>, vector<16x256xf32> -> vector<16x1024xf32>
    %concatenate3A_1292 = tpu.concatenate %concatenate3A_1129, %concatenate3A_1183, %concatenate3A_1237, %concatenate3A_1291 in 1 : vector<16x1024xf32>, vector<16x1024xf32>, vector<16x1024xf32>, vector<16x1024xf32> -> vector<16x4096xf32>
    %dot_general3A_1293 = arith.constant dense<0.000000e+00> : vector<256x4096xf32>
    %dot_general3A_1294 = tpu.matmul %get3A_21, %concatenate3A_1292, %dot_general3A_1293 {dimension_numbers = #tpu.dot_dimension_numbers<[1], [0], [0], [1], [0, 0, 1, 1], [], []>, transpose_lhs_hint = false} : vector<256x16xf32>, vector<16x4096xf32>, vector<256x4096xf32> -> vector<256x4096xf32>
    %slice3A_1295 = vector.extract_strided_slice %dot_general3A_8 {offsets = [0, 4096], sizes = [256, 1024], strides = [1, 1]} : vector<256x6144xf32> to vector<256x1024xf32>
    %slice3A_1296 = vector.extract_strided_slice %dot_general3A_1294 {offsets = [0, 0], sizes = [256, 1024], strides = [1, 1]} : vector<256x4096xf32> to vector<256x1024xf32>
    %mul3A_1297 = arith.mulf %slice3A_1296, %slice3A_1295 : vector<256x1024xf32>
    %slice3A_1298 = vector.extract_strided_slice %mul3A_1297 {offsets = [0, 0], sizes = [256, 256], strides = [1, 1]} : vector<256x1024xf32> to vector<256x256xf32>
    %slice3A_1299 = vector.extract_strided_slice %mul3A_1297 {offsets = [0, 256], sizes = [256, 256], strides = [1, 1]} : vector<256x1024xf32> to vector<256x256xf32>
    %add3A_1300 = arith.addf %slice3A_1298, %slice3A_1299 : vector<256x256xf32>
    %slice3A_1301 = vector.extract_strided_slice %mul3A_1297 {offsets = [0, 512], sizes = [256, 256], strides = [1, 1]} : vector<256x1024xf32> to vector<256x256xf32>
    %add3A_1302 = arith.addf %add3A_1300, %slice3A_1301 : vector<256x256xf32>
    %slice3A_1303 = vector.extract_strided_slice %mul3A_1297 {offsets = [0, 768], sizes = [256, 256], strides = [1, 1]} : vector<256x1024xf32> to vector<256x256xf32>
    %add3A_1304 = arith.addf %add3A_1302, %slice3A_1303 : vector<256x256xf32>
    %slice3A_1305 = vector.extract_strided_slice %dot_general3A_1294 {offsets = [0, 1024], sizes = [256, 1024], strides = [1, 1]} : vector<256x4096xf32> to vector<256x1024xf32>
    %mul3A_1306 = arith.mulf %slice3A_1305, %slice3A_1295 : vector<256x1024xf32>
    %slice3A_1307 = vector.extract_strided_slice %mul3A_1306 {offsets = [0, 0], sizes = [256, 256], strides = [1, 1]} : vector<256x1024xf32> to vector<256x256xf32>
    %slice3A_1308 = vector.extract_strided_slice %mul3A_1306 {offsets = [0, 256], sizes = [256, 256], strides = [1, 1]} : vector<256x1024xf32> to vector<256x256xf32>
    %add3A_1309 = arith.addf %slice3A_1307, %slice3A_1308 : vector<256x256xf32>
    %slice3A_1310 = vector.extract_strided_slice %mul3A_1306 {offsets = [0, 512], sizes = [256, 256], strides = [1, 1]} : vector<256x1024xf32> to vector<256x256xf32>
    %add3A_1311 = arith.addf %add3A_1309, %slice3A_1310 : vector<256x256xf32>
    %slice3A_1312 = vector.extract_strided_slice %mul3A_1306 {offsets = [0, 768], sizes = [256, 256], strides = [1, 1]} : vector<256x1024xf32> to vector<256x256xf32>
    %add3A_1313 = arith.addf %add3A_1311, %slice3A_1312 : vector<256x256xf32>
    %slice3A_1314 = vector.extract_strided_slice %dot_general3A_1294 {offsets = [0, 2048], sizes = [256, 1024], strides = [1, 1]} : vector<256x4096xf32> to vector<256x1024xf32>
    %mul3A_1315 = arith.mulf %slice3A_1314, %slice3A_1295 : vector<256x1024xf32>
    %slice3A_1316 = vector.extract_strided_slice %mul3A_1315 {offsets = [0, 0], sizes = [256, 256], strides = [1, 1]} : vector<256x1024xf32> to vector<256x256xf32>
    %slice3A_1317 = vector.extract_strided_slice %mul3A_1315 {offsets = [0, 256], sizes = [256, 256], strides = [1, 1]} : vector<256x1024xf32> to vector<256x256xf32>
    %add3A_1318 = arith.addf %slice3A_1316, %slice3A_1317 : vector<256x256xf32>
    %slice3A_1319 = vector.extract_strided_slice %mul3A_1315 {offsets = [0, 512], sizes = [256, 256], strides = [1, 1]} : vector<256x1024xf32> to vector<256x256xf32>
    %add3A_1320 = arith.addf %add3A_1318, %slice3A_1319 : vector<256x256xf32>
    %slice3A_1321 = vector.extract_strided_slice %mul3A_1315 {offsets = [0, 768], sizes = [256, 256], strides = [1, 1]} : vector<256x1024xf32> to vector<256x256xf32>
    %add3A_1322 = arith.addf %add3A_1320, %slice3A_1321 : vector<256x256xf32>
    %slice3A_1323 = vector.extract_strided_slice %dot_general3A_1294 {offsets = [0, 3072], sizes = [256, 1024], strides = [1, 1]} : vector<256x4096xf32> to vector<256x1024xf32>
    %mul3A_1324 = arith.mulf %slice3A_1323, %slice3A_1295 : vector<256x1024xf32>
    %slice3A_1325 = vector.extract_strided_slice %mul3A_1324 {offsets = [0, 0], sizes = [256, 256], strides = [1, 1]} : vector<256x1024xf32> to vector<256x256xf32>
    %slice3A_1326 = vector.extract_strided_slice %mul3A_1324 {offsets = [0, 256], sizes = [256, 256], strides = [1, 1]} : vector<256x1024xf32> to vector<256x256xf32>
    %add3A_1327 = arith.addf %slice3A_1325, %slice3A_1326 : vector<256x256xf32>
    %slice3A_1328 = vector.extract_strided_slice %mul3A_1324 {offsets = [0, 512], sizes = [256, 256], strides = [1, 1]} : vector<256x1024xf32> to vector<256x256xf32>
    %add3A_1329 = arith.addf %add3A_1327, %slice3A_1328 : vector<256x256xf32>
    %slice3A_1330 = vector.extract_strided_slice %mul3A_1324 {offsets = [0, 768], sizes = [256, 256], strides = [1, 1]} : vector<256x1024xf32> to vector<256x256xf32>
    %add3A_1331 = arith.addf %add3A_1329, %slice3A_1330 : vector<256x256xf32>
    %slice3A_1332 = vector.extract_strided_slice %dot_general3A_13 {offsets = [0, 5120], sizes = [16, 256], strides = [1, 1]} : vector<16x6144xf32> to vector<16x256xf32>
    %slice3A_1333 = vector.extract_strided_slice %dot_general3A_13 {offsets = [0, 5376], sizes = [16, 256], strides = [1, 1]} : vector<16x6144xf32> to vector<16x256xf32>
    %slice3A_1334 = vector.extract_strided_slice %dot_general3A_13 {offsets = [0, 5632], sizes = [16, 256], strides = [1, 1]} : vector<16x6144xf32> to vector<16x256xf32>
    %slice3A_1335 = vector.extract_strided_slice %dot_general3A_13 {offsets = [0, 5888], sizes = [16, 256], strides = [1, 1]} : vector<16x6144xf32> to vector<16x256xf32>
    %slice3A_1336 = vector.extract_strided_slice %dot_general3A_18 {offsets = [0, 5120], sizes = [16, 256], strides = [1, 1]} : vector<16x6144xf32> to vector<16x256xf32>
    %slice3A_1337 = vector.extract_strided_slice %dot_general3A_18 {offsets = [0, 5376], sizes = [16, 256], strides = [1, 1]} : vector<16x6144xf32> to vector<16x256xf32>
    %slice3A_1338 = vector.extract_strided_slice %dot_general3A_18 {offsets = [0, 5632], sizes = [16, 256], strides = [1, 1]} : vector<16x6144xf32> to vector<16x256xf32>
    %slice3A_1339 = vector.extract_strided_slice %dot_general3A_18 {offsets = [0, 5888], sizes = [16, 256], strides = [1, 1]} : vector<16x6144xf32> to vector<16x256xf32>
    %add3A_1340 = arith.addf %slice3A_1332, %slice3A_1336 : vector<16x256xf32>
    %ge3A_1341 = arith.constant 0.000000e+00 : f32
    %ge3A_1342 = vector.broadcast %ge3A_1341 : f32 to vector<16x256xf32>
    %ge3A_1343 = arith.cmpf oge, %add3A_1340, %ge3A_1342 : vector<16x256xf32>
    %mul3A_1344 = arith.constant 2.000000e-01 : f32
    %mul3A_1345 = vector.broadcast %mul3A_1344 : f32 to vector<16x256xf32>
    %mul3A_1346 = arith.mulf %mul3A_1345, %add3A_1340 : vector<16x256xf32>
    %select_n3A_1347 = arith.select %ge3A_1343, %add3A_1340, %mul3A_1346 : vector<16x256xi1>, vector<16x256xf32>
    %add3A_1348 = arith.addf %slice3A_1332, %slice3A_1337 : vector<16x256xf32>
    %ge3A_1349 = arith.constant 0.000000e+00 : f32
    %ge3A_1350 = vector.broadcast %ge3A_1349 : f32 to vector<16x256xf32>
    %ge3A_1351 = arith.cmpf oge, %add3A_1348, %ge3A_1350 : vector<16x256xf32>
    %mul3A_1352 = arith.constant 2.000000e-01 : f32
    %mul3A_1353 = vector.broadcast %mul3A_1352 : f32 to vector<16x256xf32>
    %mul3A_1354 = arith.mulf %mul3A_1353, %add3A_1348 : vector<16x256xf32>
    %select_n3A_1355 = arith.select %ge3A_1351, %add3A_1348, %mul3A_1354 : vector<16x256xi1>, vector<16x256xf32>
    %add3A_1356 = arith.addf %slice3A_1332, %slice3A_1338 : vector<16x256xf32>
    %ge3A_1357 = arith.constant 0.000000e+00 : f32
    %ge3A_1358 = vector.broadcast %ge3A_1357 : f32 to vector<16x256xf32>
    %ge3A_1359 = arith.cmpf oge, %add3A_1356, %ge3A_1358 : vector<16x256xf32>
    %mul3A_1360 = arith.constant 2.000000e-01 : f32
    %mul3A_1361 = vector.broadcast %mul3A_1360 : f32 to vector<16x256xf32>
    %mul3A_1362 = arith.mulf %mul3A_1361, %add3A_1356 : vector<16x256xf32>
    %select_n3A_1363 = arith.select %ge3A_1359, %add3A_1356, %mul3A_1362 : vector<16x256xi1>, vector<16x256xf32>
    %add3A_1364 = arith.addf %slice3A_1332, %slice3A_1339 : vector<16x256xf32>
    %ge3A_1365 = arith.constant 0.000000e+00 : f32
    %ge3A_1366 = vector.broadcast %ge3A_1365 : f32 to vector<16x256xf32>
    %ge3A_1367 = arith.cmpf oge, %add3A_1364, %ge3A_1366 : vector<16x256xf32>
    %mul3A_1368 = arith.constant 2.000000e-01 : f32
    %mul3A_1369 = vector.broadcast %mul3A_1368 : f32 to vector<16x256xf32>
    %mul3A_1370 = arith.mulf %mul3A_1369, %add3A_1364 : vector<16x256xf32>
    %select_n3A_1371 = arith.select %ge3A_1367, %add3A_1364, %mul3A_1370 : vector<16x256xi1>, vector<16x256xf32>
    %max3A_1372 = arith.maximumf %select_n3A_1347, %select_n3A_1355 : vector<16x256xf32>
    %max3A_1373 = arith.maximumf %select_n3A_1363, %select_n3A_1371 : vector<16x256xf32>
    %max3A_1374 = arith.maximumf %max3A_1372, %max3A_1373 : vector<16x256xf32>
    %sub3A_1375 = arith.subf %select_n3A_1347, %max3A_1374 : vector<16x256xf32>
    %exp3A_1376 = math.exp %sub3A_1375 : vector<16x256xf32>
    %sub3A_1377 = arith.subf %select_n3A_1355, %max3A_1374 : vector<16x256xf32>
    %exp3A_1378 = math.exp %sub3A_1377 : vector<16x256xf32>
    %sub3A_1379 = arith.subf %select_n3A_1363, %max3A_1374 : vector<16x256xf32>
    %exp3A_1380 = math.exp %sub3A_1379 : vector<16x256xf32>
    %sub3A_1381 = arith.subf %select_n3A_1371, %max3A_1374 : vector<16x256xf32>
    %exp3A_1382 = math.exp %sub3A_1381 : vector<16x256xf32>
    %add3A_1383 = arith.addf %exp3A_1376, %exp3A_1378 : vector<16x256xf32>
    %add3A_1384 = arith.addf %add3A_1383, %exp3A_1380 : vector<16x256xf32>
    %add3A_1385 = arith.addf %add3A_1384, %exp3A_1382 : vector<16x256xf32>
    %div3A_1386 = arith.constant 1.000000e+00 : f32
    %div3A_1387 = vector.broadcast %div3A_1386 : f32 to vector<16x256xf32>
    %div3A_1388 = arith.divf %div3A_1387, %add3A_1385 : vector<16x256xf32>
    %mul3A_1389 = arith.mulf %exp3A_1376, %div3A_1388 : vector<16x256xf32>
    %mul3A_1390 = arith.mulf %exp3A_1378, %div3A_1388 : vector<16x256xf32>
    %mul3A_1391 = arith.mulf %exp3A_1380, %div3A_1388 : vector<16x256xf32>
    %mul3A_1392 = arith.mulf %exp3A_1382, %div3A_1388 : vector<16x256xf32>
    %concatenate3A_1393 = tpu.concatenate %mul3A_1389, %mul3A_1390, %mul3A_1391, %mul3A_1392 in 1 : vector<16x256xf32>, vector<16x256xf32>, vector<16x256xf32>, vector<16x256xf32> -> vector<16x1024xf32>
    %add3A_1394 = arith.addf %slice3A_1333, %slice3A_1336 : vector<16x256xf32>
    %ge3A_1395 = arith.constant 0.000000e+00 : f32
    %ge3A_1396 = vector.broadcast %ge3A_1395 : f32 to vector<16x256xf32>
    %ge3A_1397 = arith.cmpf oge, %add3A_1394, %ge3A_1396 : vector<16x256xf32>
    %mul3A_1398 = arith.constant 2.000000e-01 : f32
    %mul3A_1399 = vector.broadcast %mul3A_1398 : f32 to vector<16x256xf32>
    %mul3A_1400 = arith.mulf %mul3A_1399, %add3A_1394 : vector<16x256xf32>
    %select_n3A_1401 = arith.select %ge3A_1397, %add3A_1394, %mul3A_1400 : vector<16x256xi1>, vector<16x256xf32>
    %add3A_1402 = arith.addf %slice3A_1333, %slice3A_1337 : vector<16x256xf32>
    %ge3A_1403 = arith.constant 0.000000e+00 : f32
    %ge3A_1404 = vector.broadcast %ge3A_1403 : f32 to vector<16x256xf32>
    %ge3A_1405 = arith.cmpf oge, %add3A_1402, %ge3A_1404 : vector<16x256xf32>
    %mul3A_1406 = arith.constant 2.000000e-01 : f32
    %mul3A_1407 = vector.broadcast %mul3A_1406 : f32 to vector<16x256xf32>
    %mul3A_1408 = arith.mulf %mul3A_1407, %add3A_1402 : vector<16x256xf32>
    %select_n3A_1409 = arith.select %ge3A_1405, %add3A_1402, %mul3A_1408 : vector<16x256xi1>, vector<16x256xf32>
    %add3A_1410 = arith.addf %slice3A_1333, %slice3A_1338 : vector<16x256xf32>
    %ge3A_1411 = arith.constant 0.000000e+00 : f32
    %ge3A_1412 = vector.broadcast %ge3A_1411 : f32 to vector<16x256xf32>
    %ge3A_1413 = arith.cmpf oge, %add3A_1410, %ge3A_1412 : vector<16x256xf32>
    %mul3A_1414 = arith.constant 2.000000e-01 : f32
    %mul3A_1415 = vector.broadcast %mul3A_1414 : f32 to vector<16x256xf32>
    %mul3A_1416 = arith.mulf %mul3A_1415, %add3A_1410 : vector<16x256xf32>
    %select_n3A_1417 = arith.select %ge3A_1413, %add3A_1410, %mul3A_1416 : vector<16x256xi1>, vector<16x256xf32>
    %add3A_1418 = arith.addf %slice3A_1333, %slice3A_1339 : vector<16x256xf32>
    %ge3A_1419 = arith.constant 0.000000e+00 : f32
    %ge3A_1420 = vector.broadcast %ge3A_1419 : f32 to vector<16x256xf32>
    %ge3A_1421 = arith.cmpf oge, %add3A_1418, %ge3A_1420 : vector<16x256xf32>
    %mul3A_1422 = arith.constant 2.000000e-01 : f32
    %mul3A_1423 = vector.broadcast %mul3A_1422 : f32 to vector<16x256xf32>
    %mul3A_1424 = arith.mulf %mul3A_1423, %add3A_1418 : vector<16x256xf32>
    %select_n3A_1425 = arith.select %ge3A_1421, %add3A_1418, %mul3A_1424 : vector<16x256xi1>, vector<16x256xf32>
    %max3A_1426 = arith.maximumf %select_n3A_1401, %select_n3A_1409 : vector<16x256xf32>
    %max3A_1427 = arith.maximumf %select_n3A_1417, %select_n3A_1425 : vector<16x256xf32>
    %max3A_1428 = arith.maximumf %max3A_1426, %max3A_1427 : vector<16x256xf32>
    %sub3A_1429 = arith.subf %select_n3A_1401, %max3A_1428 : vector<16x256xf32>
    %exp3A_1430 = math.exp %sub3A_1429 : vector<16x256xf32>
    %sub3A_1431 = arith.subf %select_n3A_1409, %max3A_1428 : vector<16x256xf32>
    %exp3A_1432 = math.exp %sub3A_1431 : vector<16x256xf32>
    %sub3A_1433 = arith.subf %select_n3A_1417, %max3A_1428 : vector<16x256xf32>
    %exp3A_1434 = math.exp %sub3A_1433 : vector<16x256xf32>
    %sub3A_1435 = arith.subf %select_n3A_1425, %max3A_1428 : vector<16x256xf32>
    %exp3A_1436 = math.exp %sub3A_1435 : vector<16x256xf32>
    %add3A_1437 = arith.addf %exp3A_1430, %exp3A_1432 : vector<16x256xf32>
    %add3A_1438 = arith.addf %add3A_1437, %exp3A_1434 : vector<16x256xf32>
    %add3A_1439 = arith.addf %add3A_1438, %exp3A_1436 : vector<16x256xf32>
    %div3A_1440 = arith.constant 1.000000e+00 : f32
    %div3A_1441 = vector.broadcast %div3A_1440 : f32 to vector<16x256xf32>
    %div3A_1442 = arith.divf %div3A_1441, %add3A_1439 : vector<16x256xf32>
    %mul3A_1443 = arith.mulf %exp3A_1430, %div3A_1442 : vector<16x256xf32>
    %mul3A_1444 = arith.mulf %exp3A_1432, %div3A_1442 : vector<16x256xf32>
    %mul3A_1445 = arith.mulf %exp3A_1434, %div3A_1442 : vector<16x256xf32>
    %mul3A_1446 = arith.mulf %exp3A_1436, %div3A_1442 : vector<16x256xf32>
    %concatenate3A_1447 = tpu.concatenate %mul3A_1443, %mul3A_1444, %mul3A_1445, %mul3A_1446 in 1 : vector<16x256xf32>, vector<16x256xf32>, vector<16x256xf32>, vector<16x256xf32> -> vector<16x1024xf32>
    %add3A_1448 = arith.addf %slice3A_1334, %slice3A_1336 : vector<16x256xf32>
    %ge3A_1449 = arith.constant 0.000000e+00 : f32
    %ge3A_1450 = vector.broadcast %ge3A_1449 : f32 to vector<16x256xf32>
    %ge3A_1451 = arith.cmpf oge, %add3A_1448, %ge3A_1450 : vector<16x256xf32>
    %mul3A_1452 = arith.constant 2.000000e-01 : f32
    %mul3A_1453 = vector.broadcast %mul3A_1452 : f32 to vector<16x256xf32>
    %mul3A_1454 = arith.mulf %mul3A_1453, %add3A_1448 : vector<16x256xf32>
    %select_n3A_1455 = arith.select %ge3A_1451, %add3A_1448, %mul3A_1454 : vector<16x256xi1>, vector<16x256xf32>
    %add3A_1456 = arith.addf %slice3A_1334, %slice3A_1337 : vector<16x256xf32>
    %ge3A_1457 = arith.constant 0.000000e+00 : f32
    %ge3A_1458 = vector.broadcast %ge3A_1457 : f32 to vector<16x256xf32>
    %ge3A_1459 = arith.cmpf oge, %add3A_1456, %ge3A_1458 : vector<16x256xf32>
    %mul3A_1460 = arith.constant 2.000000e-01 : f32
    %mul3A_1461 = vector.broadcast %mul3A_1460 : f32 to vector<16x256xf32>
    %mul3A_1462 = arith.mulf %mul3A_1461, %add3A_1456 : vector<16x256xf32>
    %select_n3A_1463 = arith.select %ge3A_1459, %add3A_1456, %mul3A_1462 : vector<16x256xi1>, vector<16x256xf32>
    %add3A_1464 = arith.addf %slice3A_1334, %slice3A_1338 : vector<16x256xf32>
    %ge3A_1465 = arith.constant 0.000000e+00 : f32
    %ge3A_1466 = vector.broadcast %ge3A_1465 : f32 to vector<16x256xf32>
    %ge3A_1467 = arith.cmpf oge, %add3A_1464, %ge3A_1466 : vector<16x256xf32>
    %mul3A_1468 = arith.constant 2.000000e-01 : f32
    %mul3A_1469 = vector.broadcast %mul3A_1468 : f32 to vector<16x256xf32>
    %mul3A_1470 = arith.mulf %mul3A_1469, %add3A_1464 : vector<16x256xf32>
    %select_n3A_1471 = arith.select %ge3A_1467, %add3A_1464, %mul3A_1470 : vector<16x256xi1>, vector<16x256xf32>
    %add3A_1472 = arith.addf %slice3A_1334, %slice3A_1339 : vector<16x256xf32>
    %ge3A_1473 = arith.constant 0.000000e+00 : f32
    %ge3A_1474 = vector.broadcast %ge3A_1473 : f32 to vector<16x256xf32>
    %ge3A_1475 = arith.cmpf oge, %add3A_1472, %ge3A_1474 : vector<16x256xf32>
    %mul3A_1476 = arith.constant 2.000000e-01 : f32
    %mul3A_1477 = vector.broadcast %mul3A_1476 : f32 to vector<16x256xf32>
    %mul3A_1478 = arith.mulf %mul3A_1477, %add3A_1472 : vector<16x256xf32>
    %select_n3A_1479 = arith.select %ge3A_1475, %add3A_1472, %mul3A_1478 : vector<16x256xi1>, vector<16x256xf32>
    %max3A_1480 = arith.maximumf %select_n3A_1455, %select_n3A_1463 : vector<16x256xf32>
    %max3A_1481 = arith.maximumf %select_n3A_1471, %select_n3A_1479 : vector<16x256xf32>
    %max3A_1482 = arith.maximumf %max3A_1480, %max3A_1481 : vector<16x256xf32>
    %sub3A_1483 = arith.subf %select_n3A_1455, %max3A_1482 : vector<16x256xf32>
    %exp3A_1484 = math.exp %sub3A_1483 : vector<16x256xf32>
    %sub3A_1485 = arith.subf %select_n3A_1463, %max3A_1482 : vector<16x256xf32>
    %exp3A_1486 = math.exp %sub3A_1485 : vector<16x256xf32>
    %sub3A_1487 = arith.subf %select_n3A_1471, %max3A_1482 : vector<16x256xf32>
    %exp3A_1488 = math.exp %sub3A_1487 : vector<16x256xf32>
    %sub3A_1489 = arith.subf %select_n3A_1479, %max3A_1482 : vector<16x256xf32>
    %exp3A_1490 = math.exp %sub3A_1489 : vector<16x256xf32>
    %add3A_1491 = arith.addf %exp3A_1484, %exp3A_1486 : vector<16x256xf32>
    %add3A_1492 = arith.addf %add3A_1491, %exp3A_1488 : vector<16x256xf32>
    %add3A_1493 = arith.addf %add3A_1492, %exp3A_1490 : vector<16x256xf32>
    %div3A_1494 = arith.constant 1.000000e+00 : f32
    %div3A_1495 = vector.broadcast %div3A_1494 : f32 to vector<16x256xf32>
    %div3A_1496 = arith.divf %div3A_1495, %add3A_1493 : vector<16x256xf32>
    %mul3A_1497 = arith.mulf %exp3A_1484, %div3A_1496 : vector<16x256xf32>
    %mul3A_1498 = arith.mulf %exp3A_1486, %div3A_1496 : vector<16x256xf32>
    %mul3A_1499 = arith.mulf %exp3A_1488, %div3A_1496 : vector<16x256xf32>
    %mul3A_1500 = arith.mulf %exp3A_1490, %div3A_1496 : vector<16x256xf32>
    %concatenate3A_1501 = tpu.concatenate %mul3A_1497, %mul3A_1498, %mul3A_1499, %mul3A_1500 in 1 : vector<16x256xf32>, vector<16x256xf32>, vector<16x256xf32>, vector<16x256xf32> -> vector<16x1024xf32>
    %add3A_1502 = arith.addf %slice3A_1335, %slice3A_1336 : vector<16x256xf32>
    %ge3A_1503 = arith.constant 0.000000e+00 : f32
    %ge3A_1504 = vector.broadcast %ge3A_1503 : f32 to vector<16x256xf32>
    %ge3A_1505 = arith.cmpf oge, %add3A_1502, %ge3A_1504 : vector<16x256xf32>
    %mul3A_1506 = arith.constant 2.000000e-01 : f32
    %mul3A_1507 = vector.broadcast %mul3A_1506 : f32 to vector<16x256xf32>
    %mul3A_1508 = arith.mulf %mul3A_1507, %add3A_1502 : vector<16x256xf32>
    %select_n3A_1509 = arith.select %ge3A_1505, %add3A_1502, %mul3A_1508 : vector<16x256xi1>, vector<16x256xf32>
    %add3A_1510 = arith.addf %slice3A_1335, %slice3A_1337 : vector<16x256xf32>
    %ge3A_1511 = arith.constant 0.000000e+00 : f32
    %ge3A_1512 = vector.broadcast %ge3A_1511 : f32 to vector<16x256xf32>
    %ge3A_1513 = arith.cmpf oge, %add3A_1510, %ge3A_1512 : vector<16x256xf32>
    %mul3A_1514 = arith.constant 2.000000e-01 : f32
    %mul3A_1515 = vector.broadcast %mul3A_1514 : f32 to vector<16x256xf32>
    %mul3A_1516 = arith.mulf %mul3A_1515, %add3A_1510 : vector<16x256xf32>
    %select_n3A_1517 = arith.select %ge3A_1513, %add3A_1510, %mul3A_1516 : vector<16x256xi1>, vector<16x256xf32>
    %add3A_1518 = arith.addf %slice3A_1335, %slice3A_1338 : vector<16x256xf32>
    %ge3A_1519 = arith.constant 0.000000e+00 : f32
    %ge3A_1520 = vector.broadcast %ge3A_1519 : f32 to vector<16x256xf32>
    %ge3A_1521 = arith.cmpf oge, %add3A_1518, %ge3A_1520 : vector<16x256xf32>
    %mul3A_1522 = arith.constant 2.000000e-01 : f32
    %mul3A_1523 = vector.broadcast %mul3A_1522 : f32 to vector<16x256xf32>
    %mul3A_1524 = arith.mulf %mul3A_1523, %add3A_1518 : vector<16x256xf32>
    %select_n3A_1525 = arith.select %ge3A_1521, %add3A_1518, %mul3A_1524 : vector<16x256xi1>, vector<16x256xf32>
    %add3A_1526 = arith.addf %slice3A_1335, %slice3A_1339 : vector<16x256xf32>
    %ge3A_1527 = arith.constant 0.000000e+00 : f32
    %ge3A_1528 = vector.broadcast %ge3A_1527 : f32 to vector<16x256xf32>
    %ge3A_1529 = arith.cmpf oge, %add3A_1526, %ge3A_1528 : vector<16x256xf32>
    %mul3A_1530 = arith.constant 2.000000e-01 : f32
    %mul3A_1531 = vector.broadcast %mul3A_1530 : f32 to vector<16x256xf32>
    %mul3A_1532 = arith.mulf %mul3A_1531, %add3A_1526 : vector<16x256xf32>
    %select_n3A_1533 = arith.select %ge3A_1529, %add3A_1526, %mul3A_1532 : vector<16x256xi1>, vector<16x256xf32>
    %max3A_1534 = arith.maximumf %select_n3A_1509, %select_n3A_1517 : vector<16x256xf32>
    %max3A_1535 = arith.maximumf %select_n3A_1525, %select_n3A_1533 : vector<16x256xf32>
    %max3A_1536 = arith.maximumf %max3A_1534, %max3A_1535 : vector<16x256xf32>
    %sub3A_1537 = arith.subf %select_n3A_1509, %max3A_1536 : vector<16x256xf32>
    %exp3A_1538 = math.exp %sub3A_1537 : vector<16x256xf32>
    %sub3A_1539 = arith.subf %select_n3A_1517, %max3A_1536 : vector<16x256xf32>
    %exp3A_1540 = math.exp %sub3A_1539 : vector<16x256xf32>
    %sub3A_1541 = arith.subf %select_n3A_1525, %max3A_1536 : vector<16x256xf32>
    %exp3A_1542 = math.exp %sub3A_1541 : vector<16x256xf32>
    %sub3A_1543 = arith.subf %select_n3A_1533, %max3A_1536 : vector<16x256xf32>
    %exp3A_1544 = math.exp %sub3A_1543 : vector<16x256xf32>
    %add3A_1545 = arith.addf %exp3A_1538, %exp3A_1540 : vector<16x256xf32>
    %add3A_1546 = arith.addf %add3A_1545, %exp3A_1542 : vector<16x256xf32>
    %add3A_1547 = arith.addf %add3A_1546, %exp3A_1544 : vector<16x256xf32>
    %div3A_1548 = arith.constant 1.000000e+00 : f32
    %div3A_1549 = vector.broadcast %div3A_1548 : f32 to vector<16x256xf32>
    %div3A_1550 = arith.divf %div3A_1549, %add3A_1547 : vector<16x256xf32>
    %mul3A_1551 = arith.mulf %exp3A_1538, %div3A_1550 : vector<16x256xf32>
    %mul3A_1552 = arith.mulf %exp3A_1540, %div3A_1550 : vector<16x256xf32>
    %mul3A_1553 = arith.mulf %exp3A_1542, %div3A_1550 : vector<16x256xf32>
    %mul3A_1554 = arith.mulf %exp3A_1544, %div3A_1550 : vector<16x256xf32>
    %concatenate3A_1555 = tpu.concatenate %mul3A_1551, %mul3A_1552, %mul3A_1553, %mul3A_1554 in 1 : vector<16x256xf32>, vector<16x256xf32>, vector<16x256xf32>, vector<16x256xf32> -> vector<16x1024xf32>
    %concatenate3A_1556 = tpu.concatenate %concatenate3A_1393, %concatenate3A_1447, %concatenate3A_1501, %concatenate3A_1555 in 1 : vector<16x1024xf32>, vector<16x1024xf32>, vector<16x1024xf32>, vector<16x1024xf32> -> vector<16x4096xf32>
    %dot_general3A_1557 = arith.constant dense<0.000000e+00> : vector<256x4096xf32>
    %dot_general3A_1558 = tpu.matmul %get3A_21, %concatenate3A_1556, %dot_general3A_1557 {dimension_numbers = #tpu.dot_dimension_numbers<[1], [0], [0], [1], [0, 0, 1, 1], [], []>, transpose_lhs_hint = false} : vector<256x16xf32>, vector<16x4096xf32>, vector<256x4096xf32> -> vector<256x4096xf32>
    %slice3A_1559 = vector.extract_strided_slice %dot_general3A_8 {offsets = [0, 5120], sizes = [256, 1024], strides = [1, 1]} : vector<256x6144xf32> to vector<256x1024xf32>
    %slice3A_1560 = vector.extract_strided_slice %dot_general3A_1558 {offsets = [0, 0], sizes = [256, 1024], strides = [1, 1]} : vector<256x4096xf32> to vector<256x1024xf32>
    %mul3A_1561 = arith.mulf %slice3A_1560, %slice3A_1559 : vector<256x1024xf32>
    %slice3A_1562 = vector.extract_strided_slice %mul3A_1561 {offsets = [0, 0], sizes = [256, 256], strides = [1, 1]} : vector<256x1024xf32> to vector<256x256xf32>
    %slice3A_1563 = vector.extract_strided_slice %mul3A_1561 {offsets = [0, 256], sizes = [256, 256], strides = [1, 1]} : vector<256x1024xf32> to vector<256x256xf32>
    %add3A_1564 = arith.addf %slice3A_1562, %slice3A_1563 : vector<256x256xf32>
    %slice3A_1565 = vector.extract_strided_slice %mul3A_1561 {offsets = [0, 512], sizes = [256, 256], strides = [1, 1]} : vector<256x1024xf32> to vector<256x256xf32>
    %add3A_1566 = arith.addf %add3A_1564, %slice3A_1565 : vector<256x256xf32>
    %slice3A_1567 = vector.extract_strided_slice %mul3A_1561 {offsets = [0, 768], sizes = [256, 256], strides = [1, 1]} : vector<256x1024xf32> to vector<256x256xf32>
    %add3A_1568 = arith.addf %add3A_1566, %slice3A_1567 : vector<256x256xf32>
    %slice3A_1569 = vector.extract_strided_slice %dot_general3A_1558 {offsets = [0, 1024], sizes = [256, 1024], strides = [1, 1]} : vector<256x4096xf32> to vector<256x1024xf32>
    %mul3A_1570 = arith.mulf %slice3A_1569, %slice3A_1559 : vector<256x1024xf32>
    %slice3A_1571 = vector.extract_strided_slice %mul3A_1570 {offsets = [0, 0], sizes = [256, 256], strides = [1, 1]} : vector<256x1024xf32> to vector<256x256xf32>
    %slice3A_1572 = vector.extract_strided_slice %mul3A_1570 {offsets = [0, 256], sizes = [256, 256], strides = [1, 1]} : vector<256x1024xf32> to vector<256x256xf32>
    %add3A_1573 = arith.addf %slice3A_1571, %slice3A_1572 : vector<256x256xf32>
    %slice3A_1574 = vector.extract_strided_slice %mul3A_1570 {offsets = [0, 512], sizes = [256, 256], strides = [1, 1]} : vector<256x1024xf32> to vector<256x256xf32>
    %add3A_1575 = arith.addf %add3A_1573, %slice3A_1574 : vector<256x256xf32>
    %slice3A_1576 = vector.extract_strided_slice %mul3A_1570 {offsets = [0, 768], sizes = [256, 256], strides = [1, 1]} : vector<256x1024xf32> to vector<256x256xf32>
    %add3A_1577 = arith.addf %add3A_1575, %slice3A_1576 : vector<256x256xf32>
    %slice3A_1578 = vector.extract_strided_slice %dot_general3A_1558 {offsets = [0, 2048], sizes = [256, 1024], strides = [1, 1]} : vector<256x4096xf32> to vector<256x1024xf32>
    %mul3A_1579 = arith.mulf %slice3A_1578, %slice3A_1559 : vector<256x1024xf32>
    %slice3A_1580 = vector.extract_strided_slice %mul3A_1579 {offsets = [0, 0], sizes = [256, 256], strides = [1, 1]} : vector<256x1024xf32> to vector<256x256xf32>
    %slice3A_1581 = vector.extract_strided_slice %mul3A_1579 {offsets = [0, 256], sizes = [256, 256], strides = [1, 1]} : vector<256x1024xf32> to vector<256x256xf32>
    %add3A_1582 = arith.addf %slice3A_1580, %slice3A_1581 : vector<256x256xf32>
    %slice3A_1583 = vector.extract_strided_slice %mul3A_1579 {offsets = [0, 512], sizes = [256, 256], strides = [1, 1]} : vector<256x1024xf32> to vector<256x256xf32>
    %add3A_1584 = arith.addf %add3A_1582, %slice3A_1583 : vector<256x256xf32>
    %slice3A_1585 = vector.extract_strided_slice %mul3A_1579 {offsets = [0, 768], sizes = [256, 256], strides = [1, 1]} : vector<256x1024xf32> to vector<256x256xf32>
    %add3A_1586 = arith.addf %add3A_1584, %slice3A_1585 : vector<256x256xf32>
    %slice3A_1587 = vector.extract_strided_slice %dot_general3A_1558 {offsets = [0, 3072], sizes = [256, 1024], strides = [1, 1]} : vector<256x4096xf32> to vector<256x1024xf32>
    %mul3A_1588 = arith.mulf %slice3A_1587, %slice3A_1559 : vector<256x1024xf32>
    %slice3A_1589 = vector.extract_strided_slice %mul3A_1588 {offsets = [0, 0], sizes = [256, 256], strides = [1, 1]} : vector<256x1024xf32> to vector<256x256xf32>
    %slice3A_1590 = vector.extract_strided_slice %mul3A_1588 {offsets = [0, 256], sizes = [256, 256], strides = [1, 1]} : vector<256x1024xf32> to vector<256x256xf32>
    %add3A_1591 = arith.addf %slice3A_1589, %slice3A_1590 : vector<256x256xf32>
    %slice3A_1592 = vector.extract_strided_slice %mul3A_1588 {offsets = [0, 512], sizes = [256, 256], strides = [1, 1]} : vector<256x1024xf32> to vector<256x256xf32>
    %add3A_1593 = arith.addf %add3A_1591, %slice3A_1592 : vector<256x256xf32>
    %slice3A_1594 = vector.extract_strided_slice %mul3A_1588 {offsets = [0, 768], sizes = [256, 256], strides = [1, 1]} : vector<256x1024xf32> to vector<256x256xf32>
    %add3A_1595 = arith.addf %add3A_1593, %slice3A_1594 : vector<256x256xf32>
    %concatenate3A_1596 = tpu.concatenate %add3A_248, %add3A_257, %add3A_266, %add3A_275, %add3A_512, %add3A_521, %add3A_530, %add3A_539, %add3A_776, %add3A_785, %add3A_794, %add3A_803, %add3A_1040, %add3A_1049, %add3A_1058, %add3A_1067, %add3A_1304, %add3A_1313, %add3A_1322, %add3A_1331, %add3A_1568, %add3A_1577, %add3A_1586, %add3A_1595 in 1 : vector<256x256xf32>, vector<256x256xf32>, vector<256x256xf32>, vector<256x256xf32>, vector<256x256xf32>, vector<256x256xf32>, vector<256x256xf32>, vector<256x256xf32>, vector<256x256xf32>, vector<256x256xf32>, vector<256x256xf32>, vector<256x256xf32>, vector<256x256xf32>, vector<256x256xf32>, vector<256x256xf32>, vector<256x256xf32>, vector<256x256xf32>, vector<256x256xf32>, vector<256x256xf32>, vector<256x256xf32>, vector<256x256xf32>, vector<256x256xf32>, vector<256x256xf32>, vector<256x256xf32> -> vector<256x6144xf32>
    %get3A_1597 = arith.constant 0 : index
    %get3A_1598 = arith.constant 0 : index
    %get3A_1599 = vector.load %arg6[%get3A_1597, %get3A_1598] : memref<128x256xf32, #tpu.memory_space<vmem>>, vector<128x256xf32>
    %dot_general3A_1600 = arith.constant dense<0.000000e+00> : vector<128x6144xf32>
    %dot_general3A_1601 = tpu.matmul %get3A_1599, %concatenate3A_1596, %dot_general3A_1600 {dimension_numbers = #tpu.dot_dimension_numbers<[1], [0], [0], [1], [0, 0, 1, 1], [], []>, transpose_lhs_hint = false} : vector<128x256xf32>, vector<256x6144xf32>, vector<128x6144xf32> -> vector<128x6144xf32>
    %get3A_1602 = arith.constant 0 : index
    %get3A_1603 = arith.constant 0 : index
    %get3A_1604 = vector.load %arg7[%get3A_1602, %get3A_1603] : memref<128x1xf32, #tpu.memory_space<vmem>>, vector<128x1xf32>
    %add3A_1605 = vector.broadcast %get3A_1604 : vector<128x1xf32> to vector<128x6144xf32>
    %add3A_1606 = arith.addf %dot_general3A_1601, %add3A_1605 : vector<128x6144xf32>
    %gt3A = arith.constant 0.000000e+00 : f32
    %gt3A_1607 = vector.broadcast %gt3A : f32 to vector<128x6144xf32>
    %gt3A_1608 = arith.cmpf ogt, %add3A_1606, %gt3A_1607 : vector<128x6144xf32>
    %exp3A_1609 = math.exp %add3A_1606 : vector<128x6144xf32>
    %sub3A_1610 = arith.constant 1.000000e+00 : f32
    %sub3A_1611 = vector.broadcast %sub3A_1610 : f32 to vector<128x6144xf32>
    %sub3A_1612 = arith.subf %exp3A_1609, %sub3A_1611 : vector<128x6144xf32>
    %select_n3A_1613 = arith.select %gt3A_1608, %add3A_1606, %sub3A_1612 : vector<128x6144xi1>, vector<128x6144xf32>
    %transpose3A = tpu.transpose %select_n3A_1613, [1, 0] : vector<128x6144xf32> -> vector<6144x128xf32>
    %add3A_1614 = arith.addf %reshape3A, %transpose3A : vector<6144x128xf32>
    %reshape3A_1615 = vector.shape_cast %add3A_1614 : vector<6144x128xf32> to vector<24x256x128xf32>
    %swap3A = arith.constant 0 : index
    %swap3A_1616 = arith.constant 0 : index
    %swap3A_1617 = arith.constant 0 : index
    %swap3A_1618 = arith.constant 0 : index
    %swap3A_1619 = vector.load %arg9[%swap3A, %swap3A_1616, %swap3A_1617, %swap3A_1618] : memref<1x24x256x128xf32, #tpu.memory_space<vmem>>, vector<1x24x256x128xf32>
    %swap3A_1620 = vector.shape_cast %swap3A_1619 : vector<1x24x256x128xf32> to vector<24x256x128xf32>
    %swap3A_1621 = vector.shape_cast %reshape3A_1615 : vector<24x256x128xf32> to vector<1x24x256x128xf32>
    tpu.vector_store %arg9[%swap3A, %swap3A_1616, %swap3A_1617, %swap3A_1618], %swap3A_1621 {strides = array<i32>} : memref<1x24x256x128xf32, #tpu.memory_space<vmem>>, vector<1x24x256x128xf32>,
    %concatenate3A_1622 = tpu.concatenate %concatenate3A, %concatenate3A_127, %concatenate3A_181, %concatenate3A_235, %concatenate3A_337, %concatenate3A_391, %concatenate3A_445, %concatenate3A_499, %concatenate3A_601, %concatenate3A_655, %concatenate3A_709, %concatenate3A_763, %concatenate3A_865, %concatenate3A_919, %concatenate3A_973, %concatenate3A_1027, %concatenate3A_1129, %concatenate3A_1183, %concatenate3A_1237, %concatenate3A_1291, %concatenate3A_1393, %concatenate3A_1447, %concatenate3A_1501, %concatenate3A_1555 in 1 : vector<16x1024xf32>, vector<16x1024xf32>, vector<16x1024xf32>, vector<16x1024xf32>, vector<16x1024xf32>, vector<16x1024xf32>, vector<16x1024xf32>, vector<16x1024xf32>, vector<16x1024xf32>, vector<16x1024xf32>, vector<16x1024xf32>, vector<16x1024xf32>, vector<16x1024xf32>, vector<16x1024xf32>, vector<16x1024xf32>, vector<16x1024xf32>, vector<16x1024xf32>, vector<16x1024xf32>, vector<16x1024xf32>, vector<16x1024xf32>, vector<16x1024xf32>, vector<16x1024xf32>, vector<16x1024xf32>, vector<16x1024xf32> -> vector<16x24576xf32>
    %reshape3A_1623 = vector.shape_cast %concatenate3A_1622 : vector<16x24576xf32> to vector<1536x256xf32>
    %transpose3A_1624 = tpu.transpose %reshape3A_1623, [1, 0] : vector<1536x256xf32> -> vector<256x1536xf32>
    %swap3A_1625 = arith.constant 0 : index
    %swap3A_1626 = arith.constant 0 : index
    %swap3A_1627 = vector.load %arg10[%swap3A_1625, %swap3A_1626] : memref<256x1536xf32, #tpu.memory_space<vmem>>, vector<256x1536xf32>
    tpu.vector_store %arg10[%swap3A_1625, %swap3A_1626], %transpose3A_1624 {strides = array<i32>} : memref<256x1536xf32, #tpu.memory_space<vmem>>, vector<256x1536xf32>,
    return
  }
  func.func @transform_0(%arg0: i32, %arg1: i32) -> (i32, i32, i32, i32) {
    %c0_i32 = arith.constant 0 : i32
    %c0_i32_0 = arith.constant 0 : i32
    %c0_i32_1 = arith.constant 0 : i32
    return %arg0, %c0_i32, %arg1, %c0_i32_0 : i32, i32, i32, i32
  }
  func.func @transform_1(%arg0: i32, %arg1: i32) -> (i32, i32) {
    %c0_i32 = arith.constant 0 : i32
    %c0_i32_0 = arith.constant 0 : i32
    %c0_i32_1 = arith.constant 0 : i32
    return %c0_i32, %c0_i32_0 : i32, i32
  }
  func.func @transform_2(%arg0: i32, %arg1: i32) -> (i32, i32) {
    %c0_i32 = arith.constant 0 : i32
    %c0_i32_0 = arith.constant 0 : i32
    %c0_i32_1 = arith.constant 0 : i32
    return %c0_i32, %c0_i32_0 : i32, i32
  }
  func.func @transform_3(%arg0: i32, %arg1: i32) -> (i32, i32) {
    %c0_i32 = arith.constant 0 : i32
    %c0_i32_0 = arith.constant 0 : i32
    %c0_i32_1 = arith.constant 0 : i32
    return %c0_i32, %c0_i32_0 : i32, i32
  }
  func.func @transform_4(%arg0: i32, %arg1: i32) -> (i32, i32) {
    %c0_i32 = arith.constant 0 : i32
    %c0_i32_0 = arith.constant 0 : i32
    %c0_i32_1 = arith.constant 0 : i32
    return %c0_i32, %c0_i32_0 : i32, i32
  }
  func.func @transform_5(%arg0: i32, %arg1: i32) -> (i32, i32) {
    %c0_i32 = arith.constant 0 : i32
    %c0_i32_0 = arith.constant 0 : i32
    %c0_i32_1 = arith.constant 0 : i32
    return %c0_i32, %c0_i32_0 : i32, i32
  }
  func.func @transform_6(%arg0: i32, %arg1: i32) -> (i32, i32) {
    %c0_i32 = arith.constant 0 : i32
    %c0_i32_0 = arith.constant 0 : i32
    %c0_i32_1 = arith.constant 0 : i32
    return %c0_i32, %c0_i32_0 : i32, i32
  }
  func.func @transform_7(%arg0: i32, %arg1: i32) -> (i32, i32, i32, i32) {
    %c0_i32 = arith.constant 0 : i32
    %c0_i32_0 = arith.constant 0 : i32
    %c0_i32_1 = arith.constant 0 : i32
    return %arg0, %c0_i32, %arg1, %c0_i32_0 : i32, i32, i32, i32
  }
  func.func @transform_8(%arg0: i32, %arg1: i32) -> (i32, i32) {
    %mul3A = arith.constant 8 : i32
    %mul3A_0 = arith.muli %arg0, %mul3A : i32
    %add3A = arith.addi %mul3A_0, %arg1 : i32
    %c0_i32 = arith.constant 0 : i32
    %c0_i32_1 = arith.constant 0 : i32
    return %add3A, %c0_i32 : i32, i32
  }
}

</mosaic_0001>

<sc_bundles>
// kernel: sparse-core-data-format-call.1.cloned.1.call-start
scs
called_computation.1_lowered:
.L_overlay_start_0:
0x0: {  	s2 =	sld [smem:$0x3FD9]  }
0x1: {  	s3 =	sld [smem:$0x3FFE];
	_ =	sdelay $0x1  }
0x2: {  	s1 =	srdreg.scid  }
0x3: {  	s0 =	sand.u32 $0x1, s1  }
0x4: {  	s16 =	sshll.u32 s0, $0xA;
	s2 =	sadd.s32 s3, s2  }
0x5: {  	s2 =	sadd.s32 s2, s16  }
0x6: {  	[smem:$0x3FC2] =	sst s2  }
0x7: {  	_ = 	snop  }
0x8: {  	s2 =	sld [smem:$0x3FD0];
	_ =	sdelay $0x2  }
0x9: {  	s17 =	simm.s32 $0xB;
	s4 =	simm.s32 $0x10  }
0xa: {  	[smem:s4], [sflag:s17] =	dma.local [hbm:s2], $0x1  }
0xb: {  	_ =	swait.eq [sflag:s17], $0x1  }
0xc: {  	[sflag:s17] =	ssyncset.done $0x0  }
0xd: {  	[sflag:s17] =	ssyncadd.s32 $0xFFFFFFFF  }
0xe: {  	s18 =	sld [smem:$0x10];
	(tm) =	ssettm $0x1  }
0xf: {  	s19 =	sld [smem:$0x3FFB];
	_ =	sdelay $0x3  }
0x10: {  	_ =	strace s19  }
0x11: {  	s2 =	sld [smem:$0x3FFC];
	_ =	sdelay $0x3  }
0x12: {  	_ =	strace s2  }
0x13: {  	s2 =	sld [smem:$0x3FFD];
	_ =	sdelay $0x3  }
0x14: {  	_ =	strace s2  }
0x15: {  	_ =	strace $0x8FFFFFFF  }
0x16: {  	s20 =	sld [smem:$0x3FDB];
	_ =	sdelay $0x1  }
0x17: {  	s21 =	simm.s32 $_scs_section_size  }
0x18: {  	s5 =	simm.s32 $_size__tile_overlayer_lowered;
	s6 =	simm.s32 $_tile_overlayer_lowered  }
0x19: {  	s7 =	simm.s32 $0x1BFF;
	s22 =	sshll.u32 s6, $0x1;
	s4 =	sadd.s32 s21, s20  }
0x1a: {  	s23 =	simm.s32 $0x0;
	s5 =	sshll.u32 s5, $0x1;
	s6 =	sadd.s32 s22, s4  }
0x1b: {  	[timem:s23], [sflag:s7] =	dma.local [hbm:s6], s5  }
0x1c: {  	_ =	swait.ge [sflag:s7], s5  }
0x1d: {  	s5 =	ssub.s32 $0x0, s5;
	[sflag:s7] =	ssyncset.done $0x0  }
0x1e: {  	[sflag:s7] =	ssyncadd.s32 s5;
	_ =	sdelay $0x1  }
0x1f: {  	s24 =	simm.s32 $0x1B8B  }
0x20: {  	_ =	swait.ge [sflag:s24], $0x1  }
0x21: {  	[sflag:s24] =	ssyncset.done $0x0  }
0x22: {  	[sflag:s24] =	ssyncadd.s32 $0xFFFFFFFF  }
0x23: {  	s5 =	sld [smem:$0x0]  }
0x24: {  	s6 =	sand.u32 $0xFFFFFFFE, s1  }
0x25: {  	p0 =	sne.s32 s1, s6  }
0x26: {  	s6 =	sshll.u32 @p0 s6, $0xE  }
0x27: {  	s6 =	sadd.s32 @p0 $0x11B8D, s6;
	s7 =	sshll.u32 @p0 s5, $0x11  }
0x28: {  	s6 =	sor.u32 @p0 s7, s6  }
0x29: {  	[sflag:s6] =	ssyncadd.remote.s32 @p0 $0x1;
	_ =	sdelay $0x1  }
0x2a: {  	s6 =	simm.s32 @p0 $0x1B8D  }
0x2b: {  	_ =	swait.eq @p0 [sflag:s6], $0x1  }
0x2c: {  	[sflag:s6] =	ssyncadd.s32 @p0 $0xFFFFFFFF  }
0x2d: {  	s7 =	sshll.u32 @!p0 s1, $0xE  }
0x2e: {  	s7 =	sor.u32 @!p0 $0x4000, s7;
	s6 =	simm.s32 @!p0 $0x1B8D  }
0x2f: {  	s5 =	sshll.u32 @!p0 s5, $0x11;
	s7 =	sadd.s32 @!p0 $0x11B8D, s7;
	_ =	swait.eq @!p0 [sflag:s6], $0x1  }
0x30: {  	s5 =	sor.u32 @!p0 s5, s7;
	[sflag:s6] =	ssyncadd.s32 @!p0 $0xFFFFFFFF  }
0x31: {  	s26 =	simm.s32 $0x1B8E;
	s25 =	sld [smem:$0x3FFE];
	[sflag:s5] =	ssyncadd.remote.s32 @!p0 $0x1  }
0x32: {  	s27 =	simm.s32 $execute0_lowered;
	[smem:$0x3FD2] =	sst s26  }
0x33: {  	s6 =	sshll.u32 s27, $0x1;
	_ =	strace $0x80000049;
	[dreg:$0x1] =	wrdreg $0xFFFFFFFF  }
0x34: {  	s28 =	simm.s32 $_size_execute0_lowered;
	s4 =	sadd.s32 s4, s6;
	[dreg:$0x0] =	wrdreg $0x0  }
0x35: {  	s6 =	sshll.u32 s28, $0x1;
	[dreg:$0x2] =	wrdreg s4  }
0x36: {  	[dreg:$0x3] =	wrdreg s6  }
0x37: {  	[dreg:$0x4] =	wrdreg $0xC0  }
0x38: {  	_ =	task [dreg:s23], $0x5FFFF  }
0x39: {  	[dreg:$0x1] =	wrdreg $0xFFFFFFFF  }
0x3a: {  	[dreg:$0x0] =	wrdreg $0x60  }
0x3b: {  	[dreg:$0x2] =	wrdreg s25  }
0x3c: {  	[dreg:$0x3] =	wrdreg s18  }
0x3d: {  	[dreg:$0x4] =	wrdreg $0xA  }
0x3e: {  	_ =	task.clear_ibuf [dreg:s23], $0x5FFFF;
	_ =	strace $0x90000049  }
0x3f: {  	s29 =	simm.s32 $0xA;
	_ =	strace $0x8000004B  }
0x40: {  	_ =	swait.ge [sflag:s29], $0x1  }
0x41: {  	[sflag:s29] =	ssyncadd.s32 $0xFFFFFFFF  }
0x42: {  	_ =	strace $0x9000004B  }
0x43: {  	_ =	sfence  }
0x44: {  	s30 =	sld [smem:$0x0];
	_ =	sdelay $0x2  }
0x45: {  	s31 =	sshll.u32 s1, $0xD;
	s1 =	sshrl.u32 s1, $0x2  }
0x46: {  	s4 =	sand.u32 $0x4000, s31;
	s1 =	sadd.s32 s1, s30  }
0x47: {  	s0 =	sor.u32 s4, s0;
	s1 =	sshll.u32 s1, $0x11  }
0x48: {  	s0 =	sor.u32 s1, s0  }
0x49: {  	s0 =	sadd.s32 $0x8F2B, s0  }
0x4a: {  	[sflag:s0] =	ssyncadd.remote.s32 $0x1  }
0x4b: {  	_ =	sfence.sel $0xFFFF  }
0x4c: {  	[dreg:$0x0] =	wrdreg $0xFFFFFFFF;
	(pc) =	sbr.abs _section_cstart, $3  }
0x4d: {  	[dreg:$0x1] =	wrdreg $0xFFFFFFFF  }
0x4e: {  	_ =	task.clear_ibuf [dreg:s23], $0x2FFFF;
	_ =	strace $0x9FFFFFFF  }
0x4f: {  	(tm) =	ssettm $0x7FFFFFFF  }
tec
execute0_lowered:
.L_overlay_start_1:
0x0: {  	(tag) =	ssettag $0x1  }
0x1: {  	s0 =	stileid.u32;
	s10 =	rddreg [dreg:$0x0]  }
0x2: {  	s1 =	srdreg.scid;
	s3 =	rddreg [dreg:$0x1];
	s7 =	simm.s32 $0x1  }
0x3: {  	s6 =	simm.s32 $0x1;
	s2 =	sshll.u32 s0, $0x5;
	s1 =	sshll.u32 s1, $0x9  }
0x4: {  	s31 =	simm.s32 $0x2;
	s17 =	simm.s32 $0x0;
	s1 =	sor.u32 s2, s1  }
0x5: {  	s12 =	simm.s32 $0x10000;
	s18 =	simm.s32 $0x0;
	s2 =	sand.u32 $0x380, s1  }
0x6: {  	s19 =	simm.s32 $0x0;
	s14 =	simm.s32 $0x0;
	s5 =	ssub.s32 $0x2000, s2  }
0x7: {  	s16 =	simm.s32 $0x0;
	s9 =	sadd.s32 $0x3341C00, s10;
	s4 =	sand.u32 $0x380, s5  }
0x8: {  	s1 =	rddreg [dreg:$0x2];
	_ =	strace $0x8000004A;
	p0 =	sne.s32 s4, $0x0  }
.Ltmp0:
0x9: {  	s8 =	sshrl.u32 s5, $0xA;
	s7 =	simm.s32 @!p0 $0x0;
	(pc) =	sbr.rel .LBB1_1-.Ltmp0, $4  }
0xa: {  	[sflag:s6] =	ssyncpa.u1 $0x0;
	s13 =	smov.u32 s2;
	s7 =	sadd.s32 s7, s8  }
0xb: {  	s5 =	sand.u32 $0x3, s0;
	[sflag:s31] =	ssyncpa.u1 $0x0;
	s7 =	smul.u32 $0x6, s7  }
0xc: {  	s4 =	sadd.s32 $0x3301C00, s10;
	s15 =	smov.u32 s5;
	p0 =	por $0x0, $0x0  }
0xd: {  	s8 =	sadd.s32 $0x3321C00, s10;
	s10 =	sadd.s32 $0x3361C00, s10;
	s11 =	sor.u32 $0x1, s7  }
.LBB1_7:
0xe: {  	s20 =	sadd.s32 $0x400, s13  }
0xf: {  	s17 =	sadd.s32 $0x4, s14;
	s21 =	smov.u32 s14;
	p2 =	sgt.s32 s20, $0x1FFF  }
0x10: {  	s21 =	smov.u32 @p2 s17  }
0x11: {  	s23 =	smov.u32 s15;
	s17 =	sadd.s32 $0x4, s15;
	p3 =	sgt.s32 s21, $0x17  }
0x12: {  	s23 =	smov.u32 @p3 s17  }
0x13: {  	s20 =	smov.u32 @p2 s2;
	p2 =	sgt.s32 s23, $0x3  }
0x14: {  	p1 =	slt.u32 s16, $0x2;
	s23 =	smov.u32 @p2 s5;
	p2 =	sne.s32 s16, s11  }
.Ltmp1:
0x15: {  	s22 =	simm.s32 @!p1 $0x2;
	(pc) =	sbr.rel @!p2 .LBB1_8-.Ltmp1, $4  }
0x16: {  	s18 =	smov.u32 s14;
	s19 =	smov.u32 s15;
	_ =	swait.ge @!p1 [sflag:s22], $0x4000  }
0x17: {  	p0 =	por !p0, !p0;
	[sflag:s22] =	ssyncset.done @!p1 $0x0;
	s21 =	simm.s32 @p3 $0x0  }
0x18: {  	s17 =	smov.u32 s13;
	[sflag:s22] =	ssyncadd.s32 @!p1 $0xFFFFC000;
	s13 =	smov.u32 s20  }
0x19: {  	s14 =	smov.u32 s21;
	s16 =	sadd.s32 $0x1, s16;
	s15 =	smov.u32 s23  }
.LBB1_1:
0x1a: {  	p1 =	sge.u32 s16, s7  }
0x1b: {  	s20 =	smul.u32 @!p1 $0x300000, s15  }
0x1c: {  	s21 =	sxor.u32 @!p1 $0xFFFFFFFF, s16;
	s22 =	sshll.u32 @!p1 s14, $0x11  }
0x1d: {  	s24 =	sshll.u32 @!p1 s13, $0x4;
	s25 =	simm.s32 @!p1 $0x20;
	s23 =	sadd.s32 @!p1 s20, s22  }
0x1e: {  	s21 =	sshll.u32 @!p1 s21, $0xE;
	s24 =	sand.u32 @!p1 $0x1FFF0, s24;
	s23 =	sadd.s32 @!p1 s4, s23  }
0x1f: {  	s26 =	simm.s32 @!p1 $0x80;
	s21 =	sand.u32 @!p1 $0x4000, s21;
	s23 =	sadd.s32 @!p1 s24, s23  }
0x20: {  	[tilespmem:s21], [sflag:$0x1] =	stream.strided.gather @!p1 [hbm4b:s23+s25], $0x1000, s26, s25, $0x38;
	[tilespmem:$0x10100] =	vst v63  }
0x21: {  	s23 =	sadd.s32 @!p1 s20, s8  }
0x22: {  	s23 =	sadd.s32 @!p1 s22, s23  }
0x23: {  	s27 =	sor.u32 @!p1 $0x1000, s21;
	s23 =	sadd.s32 @!p1 s24, s23  }
0x24: {  	[tilespmem:s27], [sflag:$0x1] =	stream.strided.gather @!p1 [hbm4b:s23+s25], $0x1000, s26, s25, $0x38;
	[tilespmem:$0x10100] =	vst v63  }
0x25: {  	s23 =	sadd.s32 @!p1 s20, s9  }
0x26: {  	s20 =	sadd.s32 @!p1 s20, s10;
	s23 =	sadd.s32 @!p1 s22, s23  }
0x27: {  	s27 =	sor.u32 @!p1 $0x2000, s21;
	s20 =	sadd.s32 @!p1 s22, s20;
	s23 =	sadd.s32 @!p1 s24, s23  }
0x28: {  	[tilespmem:s27], [sflag:$0x1] =	stream.strided.gather @!p1 [hbm4b:s23+s25], $0x1000, s26, s25, $0x38;
	[tilespmem:$0x10100] =	vst v63  }
0x29: {  	s31 =	sadd.s32 $0xFFFFFFFF, s16;
	s21 =	sor.u32 @!p1 $0x3000, s21;
	s20 =	sadd.s32 @!p1 s24, s20  }
0x2a: {  	[tilespmem:s21], [sflag:$0x1] =	stream.strided.gather @!p1 [hbm4b:s20+s25], $0x1000, s26, s25, $0x38;
	[tilespmem:$0x10100] =	vst v63  }
0x2b: {  	p1 =	sge.u32 s31, s7  }
.Ltmp2:
0x2c: {  	_ = 	snop;
	(pc) =	sbr.rel @p1 .LBB1_7-.Ltmp2, $1  }
0x2d: {  	_ =	sdelay $0x3  }
0x2e: {  	s20 =	simm.s32 $0x1;
	s22 =	sand.u32 $0x1, s16  }
0x2f: {  	_ =	swait.ge [sflag:s6], $0x4000;
	s20 =	simm.s32 @!p0 $0x0;
	s23 =	smul.u32 $0x10200, s22  }
0x30: {  	[sflag:s6] =	ssyncset.done $0x0;
	s21 =	smul.u32 $0x10200, s20  }
0x31: {  	s20 =	sshll.u32 s20, $0xE;
	[sflag:s6] =	ssyncadd.s32 $0xFFFFC000  }
0x32: {  	s22 =	sor.u32 $0x10, s20;
	s31 =	sshrl.u32 s23, $0x2;
	s21 =	sshrl.u32 s21, $0x2  }
0x33: {  	s23 =	simm.s32 $0x0;
	s20 =	sor.u32 $0x8000, s31;
	s21 =	sor.u32 $0x8000, s21  }
.LBB1_3:
0x34: {  	v1 =	vld [tilespmem:s22+$0x0]  }
0x35: {  	v0 =	vld [tilespmem:s22+$0xFFFFFFF0];
	_ =	sdelay $0x2  }
0x36: {  	s26 =	sadd.s32 $0x0, s21  }
0x37: {  	s24 =	simm.s32 $0x4;
	s25 =	sadd.s32 $0x20, s22;
	[tilespmem:s26+$0x810 ss:$0x81] =	vst.msk $0xffff, v1  }
.LBB1_4:
0x38: {  	v1 =	vld [tilespmem:s25+$0x0];
	p1 =	sne.s32 s24, $0x1FC;
	[tilespmem:s26+$0x0 ss:$0x81] =	vst.msk $0xffff, v0;
	s26 =	smov.u32 s24;
	s24 =	sadd.s32 $0x4, s24  }
.Ltmp3:
0x39: {  	v0 =	vld [tilespmem:s25+$0xFFFFFFF0];
	(pc) =	sbr.rel @p1 .LBB1_4-.Ltmp3, $4  }
0x3a: {  	_ = 	snop  }
0x3b: {  	s26 =	sshra.s32 s26, $0x2  }
0x3c: {  	s26 =	sadd.s32 s26, s21  }
0x3d: {  	s25 =	sadd.s32 $0x20, s25;
	[tilespmem:s26+$0x810 ss:$0x81] =	vst.msk $0xffff, v1  }
0x3e: {  	s23 =	sadd.s32 $0x1, s23  }
0x3f: {  	p1 =	sne.s32 s23, $0x4  }
.Ltmp4:
0x40: {  	_ = 	snop;
	(pc) =	sbr.rel @p1 .LBB1_3-.Ltmp4, $2  }
0x41: {  	_ =	sdelay $0x2  }
0x42: {  	[tilespmem:s26+$0x0 ss:$0x81] =	vst.msk $0xffff, v0;
	s21 =	sadd.s32 $0x1020, s21;
	s22 =	sadd.s32 $0x1000, s22  }
0x43: {  	s21 =	sshll.u32 s17, $0x3;
	s19 =	smul.u32 $0xC0000, s19  }
0x44: {  	s22 =	sand.u32 $0x78, s17;
	s18 =	sshll.u32 s18, $0xF;
	s29 =	sand.u32 $0x7C00, s17  }
.Ltmp5:
0x45: {  	s21 =	sand.u32 $0x1C00, s21;
	s19 =	sadd.s32 s3, s19;
	(pc) =	sbr.rel .LBB1_7-.Ltmp5, $4  }
0x46: {  	s30 =	sand.u32 $0x7, s17;
	s21 =	sor.u32 s22, s21;
	s18 =	sadd.s32 s18, s19  }
0x47: {  	s17 =	sshll.u32 s30, $0x12;
	s31 =	sshrl.u32 s21, $0x3;
	s18 =	sadd.s32 s29, s18  }
0x48: {  	s17 =	sor.u32 $0x400, s17;
	s18 =	sadd.s32 s31, s18  }
0x49: {  	[hbm4b:s18+s17] =	stream.strided.scatter [tilespmem:s20], [sflag:$0x2], $0x4000, s12, s17, $0x20;
	[tilespmem:$0x10100] =	vst v63  }
.LBB1_8:
0x4a: {  	_ =	sfence.sel $0x180000  }
0x4b: {  	s2 =	simm.s32 $0x1;
	[bflag:$0x0] =	sbarrier.arrive $0xFFFF  }
0x4c: {  	s31 =	simm.s32 $0x2;
	[sflag:s2] =	ssyncpa.u1 $0x1  }
0x4d: {  	[sflag:s31] =	ssyncpa.u1 $0x1  }
0x4e: {  	p0 =	sne.s32 s0, $0x0;
	_ =	strace $0x9000004A  }
0x4f: {  	s0 =	sadd.s32 @!p0 $0x100000, s1;
	[bflag:$0x2] =	sbarrier.arrive $0xFFFF  }
0x50: {  	[sflag:s0] =	ssyncadd.tile.s32 @!p0 $0x1;
	_ =	shalt  }
.Lfunc_end1:
_tile_overlayer_lowered:
.L_overlay_start_2:
0x51: {  	(tag) =	ssettag $0x2  }
0x52: {  	s0 =	rddreg [dreg:$0x0];
	s2 =	stileid.u32  }
0x53: {  	s1 =	rddreg [dreg:$0x1];
	p0 =	sne.s32 s2, $0x0  }
0x54: {  	s3 =	rddreg [dreg:$0x2];
	[bflag:$0x3] =	sbarrier.arrive $0xFFFF;
	s2 =	simm.s32 @!p0 $0x1C01  }
0x55: {  	[timem:s3], [sflag:s2] =	dma.local @!p0 [hbm:s0], s1  }
0x56: {  	s0 =	simm.s32 @!p0 $0x1  }
0x57: {  	_ =	swait.ge @!p0 [sflag:s0], s1  }
0x58: {  	s1 =	ssub.s32 @!p0 $0x0, s1;
	[sflag:s0] =	ssyncset.done @!p0 $0x0  }
0x59: {  	[sflag:s0] =	ssyncadd.s32 @!p0 s1  }
0x5a: {  	[bflag:$0x3] =	sbarrier.arrive $0xFFFF  }
0x5b: {  	_ =	shalt  }

// kernel: sparse-core-data-format-call.cloned.1.call-start
scs
called_computation_lowered:
.L_overlay_start_0:
0x0: {  	s2 =	sld [smem:$0x3FD9]  }
0x1: {  	s3 =	sld [smem:$0x3FFE];
	_ =	sdelay $0x1  }
0x2: {  	s1 =	srdreg.scid  }
0x3: {  	s0 =	sand.u32 $0x1, s1  }
0x4: {  	s15 =	sshll.u32 s0, $0xA;
	s2 =	sadd.s32 s3, s2  }
0x5: {  	s2 =	sadd.s32 s2, s15  }
0x6: {  	[smem:$0x3FC2] =	sst s2  }
0x7: {  	_ = 	snop  }
0x8: {  	s2 =	sld [smem:$0x3FD0];
	_ =	sdelay $0x2  }
0x9: {  	s16 =	simm.s32 $0xB;
	s4 =	simm.s32 $0x10  }
0xa: {  	[smem:s4], [sflag:s16] =	dma.local [hbm:s2], $0x1  }
0xb: {  	_ =	swait.eq [sflag:s16], $0x1  }
0xc: {  	[sflag:s16] =	ssyncset.done $0x0  }
0xd: {  	[sflag:s16] =	ssyncadd.s32 $0xFFFFFFFF  }
0xe: {  	s17 =	sld [smem:$0x11];
	(tm) =	ssettm $0x1  }
0xf: {  	s18 =	sld [smem:$0x3FFB];
	_ =	sdelay $0x3  }
0x10: {  	_ =	strace s18  }
0x11: {  	s3 =	sld [smem:$0x3FFC];
	_ =	sdelay $0x3  }
0x12: {  	_ =	strace s3  }
0x13: {  	s3 =	sld [smem:$0x3FFD];
	_ =	sdelay $0x3  }
0x14: {  	_ =	strace s3  }
0x15: {  	_ =	strace $0x8FFFFFFF  }
0x16: {  	s19 =	sld [smem:$0x3FDB];
	_ =	sdelay $0x1  }
0x17: {  	s20 =	simm.s32 $_scs_section_size  }
0x18: {  	s5 =	simm.s32 $_size__tile_overlayer_lowered;
	s6 =	simm.s32 $_tile_overlayer_lowered  }
0x19: {  	s23 =	simm.s32 $0x1BFF;
	s22 =	sshll.u32 s6, $0x1;
	s3 =	sadd.s32 s20, s19  }
0x1a: {  	s7 =	simm.s32 $0x0;
	s21 =	sshll.u32 s5, $0x1;
	s5 =	sadd.s32 s22, s3  }
0x1b: {  	[timem:s7], [sflag:s23] =	dma.local [hbm:s5], s21  }
0x1c: {  	_ =	swait.ge [sflag:s23], s21  }
0x1d: {  	s4 =	ssub.s32 $0x0, s21;
	[sflag:s23] =	ssyncset.done $0x0  }
0x1e: {  	[sflag:s23] =	ssyncadd.s32 s4;
	_ =	sdelay $0x1  }
0x1f: {  	s24 =	simm.s32 $0x1B8B  }
0x20: {  	_ =	swait.ge [sflag:s24], $0x1  }
0x21: {  	[sflag:s24] =	ssyncset.done $0x0  }
0x22: {  	s26 =	simm.s32 $0x1B8E;
	s25 =	sld [smem:$0x3FFE];
	[sflag:s24] =	ssyncadd.s32 $0xFFFFFFFF  }
0x23: {  	s27 =	simm.s32 $execute0_lowered;
	[smem:$0x3FD2] =	sst s26  }
0x24: {  	s5 =	sshll.u32 s27, $0x1;
	_ =	strace $0x80000046;
	[dreg:$0x1] =	wrdreg $0xFFFFFFFF  }
0x25: {  	s28 =	simm.s32 $_size_execute0_lowered;
	s3 =	sadd.s32 s3, s5;
	[dreg:$0x0] =	wrdreg $0x0  }
0x26: {  	s5 =	sshll.u32 s28, $0x1;
	[dreg:$0x2] =	wrdreg s3  }
0x27: {  	[dreg:$0x3] =	wrdreg s5  }
0x28: {  	[dreg:$0x4] =	wrdreg $0xC0  }
0x29: {  	_ =	task [dreg:s7], $0x5FFFF  }
0x2a: {  	[dreg:$0x1] =	wrdreg $0xFFFFFFFF  }
0x2b: {  	[dreg:$0x0] =	wrdreg $0x60  }
0x2c: {  	[dreg:$0x2] =	wrdreg s25  }
0x2d: {  	[dreg:$0x3] =	wrdreg s17  }
0x2e: {  	[dreg:$0x4] =	wrdreg $0x9  }
0x2f: {  	_ =	task.clear_ibuf [dreg:s7], $0x5FFFF;
	_ =	strace $0x90000046  }
0x30: {  	s29 =	simm.s32 $0x9;
	_ =	strace $0x80000048  }
0x31: {  	_ =	swait.ge [sflag:s29], $0x1  }
0x32: {  	[sflag:s29] =	ssyncadd.s32 $0xFFFFFFFF  }
0x33: {  	_ =	strace $0x90000048  }
0x34: {  	_ =	sfence  }
0x35: {  	s30 =	sld [smem:$0x0];
	_ =	sdelay $0x2  }
0x36: {  	s31 =	sshll.u32 s1, $0xD;
	s1 =	sshrl.u32 s1, $0x2  }
0x37: {  	s3 =	sand.u32 $0x4000, s31;
	s1 =	sadd.s32 s1, s30  }
0x38: {  	s0 =	sor.u32 s3, s0;
	s1 =	sshll.u32 s1, $0x11  }
0x39: {  	s0 =	sor.u32 s1, s0  }
0x3a: {  	s0 =	sadd.s32 $0x8F2B, s0  }
0x3b: {  	[sflag:s0] =	ssyncadd.remote.s32 $0x1  }
0x3c: {  	_ =	sfence.sel $0xFFFF  }
0x3d: {  	[dreg:$0x0] =	wrdreg $0xFFFFFFFF;
	(pc) =	sbr.abs _section_cstart, $3  }
0x3e: {  	[dreg:$0x1] =	wrdreg $0xFFFFFFFF  }
0x3f: {  	_ =	task.clear_ibuf [dreg:s7], $0x2FFFF;
	_ =	strace $0x9FFFFFFF  }
0x40: {  	(tm) =	ssettm $0x7FFFFFFF  }
0x41: {  	_ =	shalt  }
tec
execute0_lowered:
.L_overlay_start_1:
0x0: {  	(tag) =	ssettag $0x1  }
0x1: {  	s6 =	rddreg [dreg:$0x0]  }
0x2: {  	s0 =	srdreg.scid;
	s3 =	rddreg [dreg:$0x1];
	s5 =	simm.s32 $0x1  }
0x3: {  	s31 =	simm.s32 $0x2;
	s18 =	simm.s32 $0x0;
	s1 =	sshll.u32 s0, $0x4  }
0x4: {  	s8 =	simm.s32 $0x20000;
	s0 =	stileid.u32;
	s1 =	sand.u32 $0x10, s1  }
0x5: {  	s20 =	simm.s32 $0x0;
	s21 =	simm.s32 $0x0;
	s1 =	sor.u32 s0, s1  }
0x6: {  	s19 =	simm.s32 $0x0;
	s9 =	simm.s32 $0x0;
	s2 =	sshll.u32 s1, $0x7  }
0x7: {  	s10 =	simm.s32 $0x0;
	s11 =	simm.s32 $0x0;
	s4 =	ssub.s32 $0x8000, s2  }
0x8: {  	s12 =	simm.s32 $0x0;
	s13 =	simm.s32 $0x0;
	s30 =	sand.u32 $0xF80, s4  }
0x9: {  	s14 =	simm.s32 $0x0;
	s15 =	simm.s32 $0x0;
	p0 =	sne.s32 s30, $0x0  }
.Ltmp0:
0xa: {  	s7 =	sshrl.u32 s4, $0xC;
	s5 =	simm.s32 @!p0 $0x0;
	(pc) =	sbr.rel .LBB1_1-.Ltmp0, $4  }
0xb: {  	s17 =	simm.s32 $0x0;
	s1 =	rddreg [dreg:$0x2];
	s5 =	sadd.s32 s5, s7  }
0xc: {  	_ =	strace $0x80000047;
	s4 =	simm.s32 $0x1;
	s5 =	smul.u32 $0x60, s5  }
0xd: {  	s6 =	sadd.s32 $0x301C00, s6;
	s16 =	smov.u32 s2;
	[sflag:s4] =	ssyncpa.u1 $0x0  }
0xe: {  	[sflag:s31] =	ssyncpa.u1 $0x0;
	p0 =	por $0x0, $0x0;
	s7 =	sor.u32 $0x1, s5  }
.LBB1_4:
0xf: {  	p1 =	sgt.s32 s11, $0x3;
	s24 =	smov.u32 s11;
	s25 =	sshra.s32 s11, $0x1F  }
0x10: {  	s26 =	sshra.s32 s12, $0x1F;
	s24 =	simm.s32 @!p1 $0x3;
	s25 =	sand.u32 s25, s11  }
0x11: {  	s27 =	smov.u32 s10;
	s28 =	sshra.s32 s10, $0x1F;
	s24 =	ssub.s32 s24, s25  }
0x12: {  	s29 =	sshra.s32 s9, $0x1F;
	s26 =	sand.u32 s26, s12;
	s25 =	sadd.s32 $0xFFFFFFFD, s24  }
0x13: {  	s30 =	sand.u32 s28, s10;
	s24 =	ssub.s32 $0x4, s24;
	p1 =	sgt.s32 s25, $0x0  }
0x14: {  	s25 =	smov.u32 s12;
	s24 =	simm.s32 @p1 $0x0;
	p1 =	sgt.s32 s12, $0x7F80  }
0x15: {  	s28 =	smov.u32 s9;
	s25 =	simm.s32 @!p1 $0x7F80;
	p1 =	sgt.s32 s10, $0x5  }
0x16: {  	s29 =	sand.u32 s29, s9;
	s27 =	simm.s32 @!p1 $0x5;
	s25 =	ssub.s32 s25, s26  }
0x17: {  	p1 =	sgt.s32 s9, $0x3;
	s25 =	sadd.s32 $0xFFFF8080, s25;
	s26 =	ssub.s32 s27, s30  }
0x18: {  	s28 =	simm.s32 @!p1 $0x3;
	s31 =	sshll.u32 s25, $0x2;
	p1 =	sgt.s32 s25, $0x7F  }
0x19: {  	s30 =	sadd.s32 $0xFFFFFFFB, s26;
	s28 =	ssub.s32 s28, s29;
	s25 =	ssub.s32 $0x200, s31  }
0x1a: {  	s26 =	ssub.s32 $0x6, s26;
	s31 =	sshll.u32 s12, $0x2;
	s25 =	simm.s32 @p1 $0x0  }
0x1b: {  	p1 =	sgt.s32 s30, $0x0;
	s30 =	sand.u32 $0x78, s12;
	s27 =	sand.u32 $0x7E00, s31  }
0x1c: {  	s31 =	sadd.s32 $0xFFFFFFFD, s28;
	s26 =	simm.s32 @p1 $0x0;
	s24 =	smul.u32 s24, s25  }
0x1d: {  	p1 =	sgt.s32 s31, $0x0;
	s25 =	ssub.s32 $0x4, s28;
	s28 =	smul.u32 $0x60000, s11  }
0x1e: {  	s27 =	sor.u32 s30, s27;
	s30 =	sshll.u32 s10, $0x10;
	s31 =	sshrl.u32 s12, $0x1  }
0x1f: {  	s25 =	simm.s32 @p1 $0x0;
	s24 =	smul.u32 s26, s24;
	s28 =	sadd.s32 s3, s28  }
0x20: {  	s29 =	sand.u32 $0x3000, s31;
	s31 =	sand.u32 $0x7, s12;
	s26 =	sadd.s32 s30, s28  }
0x21: {  	s30 =	sshll.u32 s9, $0xE;
	s24 =	smul.u32 s25, s24;
	s25 =	sadd.s32 s29, s26  }
0x22: {  	s27 =	sshrl.u32 s27, $0x3;
	s26 =	sshll.u32 s31, $0x12;
	s25 =	sadd.s32 s30, s25  }
0x23: {  	[tilespmem:s23+$0x0 ss:$0x81] =	vst.msk $0xffff, v0;
	s31 =	sor.u32 $0x200, s26;
	s29 =	sand.u32 $0x3FFFFFFC, s24;
	s30 =	sadd.s32 s27, s25  }
0x24: {  	[hbm4b:s30+s31] =	stream.strided.scatter [tilespmem:s22], [sflag:$0x2], s29, s8, s31, $0x20;
	[tilespmem:$0x4040] =	vst v63  }
.LBB1_5:
0x25: {  	p1 =	slt.u32 s17, $0x2;
	s22 =	smov.u32 s21;
	s25 =	smov.u32 s16  }
0x26: {  	p0 =	por !p0, !p0;
	p2 =	sgt.s32 @!p1 s21, $0x3;
	s23 =	sshra.s32 @!p1 s21, $0x1F  }
0x27: {  	p3 =	sgt.s32 @!p1 s18, $0x3;
	p4 =	sgt.s32 @!p1 s19, $0x7F80;
	p2 =	por !p2, p1  }
0x28: {  	s21 =	sand.u32 @!p1 s23, s21;
	s23 =	sshra.s32 @!p1 s20, $0x1F;
	p3 =	por !p3, p1  }
0x29: {  	p4 =	por !p4, p1;
	s22 =	simm.s32 @p2 $0x3;
	p2 =	sgt.s32 @!p1 s20, $0x5  }
0x2a: {  	s21 =	ssub.s32 @!p1 s22, s21;
	p2 =	por !p2, p1;
	s22 =	smov.u32 s20  }
0x2b: {  	s20 =	sand.u32 @!p1 s23, s20;
	s23 =	sshra.s32 @!p1 s19, $0x1F;
	s24 =	sadd.s32 @!p1 $0xFFFFFFFD, s21  }
0x2c: {  	s22 =	simm.s32 @p2 $0x5;
	s21 =	ssub.s32 @!p1 $0x4, s21;
	p2 =	sgt.s32 @!p1 s24, $0x0  }
0x2d: {  	s20 =	ssub.s32 @!p1 s22, s20;
	s24 =	smov.u32 s18;
	p2 =	por !p2, p1  }
0x2e: {  	s22 =	sadd.s32 @!p1 $0xFFFFFFFB, s20;
	s20 =	ssub.s32 @!p1 $0x6, s20;
	s24 =	simm.s32 @p3 $0x3  }
0x2f: {  	s21 =	simm.s32 @!p2 $0x0;
	p2 =	sgt.s32 @!p1 s22, $0x0;
	s22 =	smov.u32 s19  }
0x30: {  	s19 =	sand.u32 @!p1 s23, s19;
	s23 =	sshra.s32 @!p1 s18, $0x1F;
	s22 =	simm.s32 @p4 $0x7F80  }
0x31: {  	p2 =	por !p2, p1;
	s18 =	sand.u32 @!p1 s23, s18;
	s19 =	ssub.s32 @!p1 s22, s19  }
0x32: {  	s23 =	sadd.s32 $0x1, s13;
	s20 =	simm.s32 @!p2 $0x0;
	s19 =	sadd.s32 @!p1 $0xFFFF8080, s19  }
0x33: {  	s18 =	ssub.s32 @!p1 s24, s18;
	p2 =	sgt.s32 @!p1 s19, $0x7F;
	s19 =	sshll.u32 @!p1 s19, $0x2  }
0x34: {  	s24 =	simm.s32 $0x1;
	s19 =	ssub.s32 @!p1 $0x200, s19;
	p2 =	por !p2, p1  }
0x35: {  	s22 =	sadd.s32 @!p1 $0xFFFFFFFD, s18;
	s19 =	simm.s32 @!p2 $0x0;
	p2 =	sgt.s32 s23, $0x3  }
0x36: {  	p3 =	sgt.s32 @!p1 s22, $0x0;
	s19 =	smul.u32 @!p1 s21, s19;
	s24 =	simm.s32 @!p2 $0x0  }
0x37: {  	s18 =	ssub.s32 @!p1 $0x4, s18;
	p3 =	por !p3, p1;
	s22 =	sadd.s32 s24, s14  }
0x38: {  	s19 =	smul.u32 @!p1 s20, s19;
	p4 =	sgt.s32 s22, $0x5;
	s20 =	simm.s32 $0x1  }
0x39: {  	s26 =	simm.s32 @!p1 $0x2;
	s18 =	simm.s32 @!p3 $0x0;
	s20 =	simm.s32 @!p4 $0x0  }
0x3a: {  	s23 =	simm.s32 @p2 $0x0;
	s21 =	smov.u32 s11;
	s24 =	sadd.s32 s20, s15  }
0x3b: {  	s18 =	smul.u32 @!p1 s18, s19;
	s19 =	sadd.s32 $0x1000, s16;
	p2 =	sgt.s32 s24, $0x3  }
0x3c: {  	s11 =	smov.u32 s15;
	s22 =	simm.s32 @p4 $0x0;
	s25 =	smov.u32 @p2 s19  }
0x3d: {  	s20 =	smov.u32 s10;
	s24 =	simm.s32 @p2 $0x0;
	p2 =	sgt.s32 s25, $0x7FFF  }
0x3e: {  	s10 =	smov.u32 s14;
	s25 =	smov.u32 @p2 s2;
	p2 =	sne.s32 s17, s7  }
.Ltmp1:
0x3f: {  	s14 =	smov.u32 s22;
	s18 =	sand.u32 @!p1 $0x3FFFFFFC, s18;
	(pc) =	sbr.rel @!p2 .LBB1_6-.Ltmp1, $4  }
0x40: {  	s19 =	smov.u32 s12;
	s12 =	smov.u32 s16;
	_ =	swait.ge @!p1 [sflag:s26], s18  }
0x41: {  	s27 =	ssub.s32 @!p1 $0x0, s18;
	s18 =	smov.u32 s9;
	s9 =	smov.u32 s13  }
0x42: {  	s13 =	smov.u32 s23;
	s15 =	smov.u32 s24;
	[sflag:s26] =	ssyncset.done @!p1 $0x0  }
0x43: {  	s17 =	sadd.s32 $0x1, s17;
	[sflag:s26] =	ssyncadd.s32 @!p1 s27;
	s16 =	smov.u32 s25  }
.LBB1_1:
0x44: {  	p1 =	sge.u32 s17, s5  }
0x45: {  	s22 =	smul.u32 @!p1 $0x600, s16  }
0x46: {  	s31 =	sadd.s32 $0xFFFFFFFF, s17;
	s24 =	smul.u32 @!p1 $0x180, s15  }
0x47: {  	s23 =	sxor.u32 @!p1 $0xFFFFFFFF, s17;
	s25 =	sshll.u32 @!p1 s14, $0x6;
	s22 =	sadd.s32 @!p1 s6, s22  }
0x48: {  	s26 =	sshll.u32 @!p1 s13, $0x4;
	s23 =	sshll.u32 @!p1 s23, $0xC;
	s22 =	sadd.s32 @!p1 s24, s22  }
0x49: {  	s23 =	sand.u32 @!p1 $0x1000, s23;
	s24 =	sand.u32 @!p1 $0x30, s26;
	s22 =	sadd.s32 @!p1 s25, s22  }
0x4a: {  	s25 =	simm.s32 @!p1 $0x3000;
	s22 =	sadd.s32 @!p1 s24, s22;
	s24 =	simm.s32 @!p1 $0x20  }
0x4b: {  	[tilespmem:s23], [sflag:$0x1] =	stream.strided.gather @!p1 [hbm4b:s22+s24], $0x1000, s25, s24, $0x38;
	[tilespmem:$0x4040] =	vst v63  }
0x4c: {  	p1 =	sge.u32 s31, s5  }
.Ltmp2:
0x4d: {  	_ = 	snop;
	(pc) =	sbr.rel @p1 .LBB1_5-.Ltmp2, $1  }
0x4e: {  	_ =	sdelay $0x3  }
0x4f: {  	s22 =	simm.s32 $0x1  }
0x50: {  	_ =	swait.ge [sflag:s4], $0x1000;
	s22 =	simm.s32 @!p0 $0x0  }
0x51: {  	[sflag:s4] =	ssyncset.done $0x0;
	s23 =	sshll.u32 s22, $0xC  }
0x52: {  	[sflag:s4] =	ssyncadd.s32 $0xFFFFF000;
	s26 =	sor.u32 $0x10, s23  }
0x53: {  	s22 =	smul.u32 $0x4080, s22;
	v1 =	vld [tilespmem:s26+$0x0]  }
0x54: {  	s30 =	sand.u32 $0x1, s17;
	v0 =	vld [tilespmem:s26+$0xFFFFFFF0]  }
0x55: {  	s23 =	smul.u32 $0x4080, s30;
	s22 =	sshrl.u32 s22, $0x2  }
0x56: {  	s24 =	sor.u32 $0x2000, s22  }
0x57: {  	s31 =	sshrl.u32 s23, $0x2;
	s23 =	sadd.s32 $0x0, s24  }
0x58: {  	s25 =	simm.s32 $0x4;
	s26 =	sadd.s32 $0x20, s26;
	s22 =	sor.u32 $0x2000, s31;
	[tilespmem:s23+$0x810 ss:$0x81] =	vst.msk $0xffff, v1  }
.LBB1_3:
0x59: {  	v1 =	vld [tilespmem:s26+$0x0];
	p1 =	sne.s32 s25, $0x1FC;
	[tilespmem:s23+$0x0 ss:$0x81] =	vst.msk $0xffff, v0;
	s23 =	smov.u32 s25;
	s25 =	sadd.s32 $0x4, s25  }
.Ltmp3:
0x5a: {  	v0 =	vld [tilespmem:s26+$0xFFFFFFF0];
	(pc) =	sbr.rel @p1 .LBB1_3-.Ltmp3, $4  }
0x5b: {  	_ = 	snop  }
0x5c: {  	s23 =	sshra.s32 s23, $0x2  }
0x5d: {  	s23 =	sadd.s32 s23, s24  }
0x5e: {  	s26 =	sadd.s32 $0x20, s26;
	[tilespmem:s23+$0x810 ss:$0x81] =	vst.msk $0xffff, v1  }
.Ltmp4:
0x5f: {  	_ = 	snop;
	(pc) =	sbr.rel .LBB1_4-.Ltmp4, $1  }
0x60: {  	_ =	sdelay $0x3  }
.LBB1_6:
0x61: {  	_ =	sfence.sel $0x180000  }
0x62: {  	s2 =	simm.s32 $0x1;
	[bflag:$0x0] =	sbarrier.arrive $0xFFFF  }
0x63: {  	s31 =	simm.s32 $0x2;
	[sflag:s2] =	ssyncpa.u1 $0x1  }
0x64: {  	[sflag:s31] =	ssyncpa.u1 $0x1  }
0x65: {  	p0 =	sne.s32 s0, $0x0;
	_ =	strace $0x90000047  }
0x66: {  	s0 =	sadd.s32 @!p0 $0x100000, s1;
	[bflag:$0x2] =	sbarrier.arrive $0xFFFF  }
0x67: {  	[sflag:s0] =	ssyncadd.tile.s32 @!p0 $0x1;
	_ =	shalt  }
.Lfunc_end1:
_tile_overlayer_lowered:
.L_overlay_start_2:
0x68: {  	(tag) =	ssettag $0x2  }
0x69: {  	s0 =	rddreg [dreg:$0x0];
	s2 =	stileid.u32  }
0x6a: {  	s1 =	rddreg [dreg:$0x1];
	p0 =	sne.s32 s2, $0x0  }
0x6b: {  	s3 =	rddreg [dreg:$0x2];
	[bflag:$0x3] =	sbarrier.arrive $0xFFFF;
	s2 =	simm.s32 @!p0 $0x1C01  }
0x6c: {  	[timem:s3], [sflag:s2] =	dma.local @!p0 [hbm:s0], s1  }
0x6d: {  	s0 =	simm.s32 @!p0 $0x1  }
0x6e: {  	_ =	swait.ge @!p0 [sflag:s0], s1  }
0x6f: {  	s1 =	ssub.s32 @!p0 $0x0, s1;
	[sflag:s0] =	ssyncset.done @!p0 $0x0  }
0x70: {  	[sflag:s0] =	ssyncadd.s32 @!p0 s1  }
0x71: {  	[bflag:$0x3] =	sbarrier.arrive $0xFFFF  }
0x72: {  	_ =	shalt  }

</sc_bundles>
